<compile_context>
chip_gen: v7x
topology: tpu7x:2x2x1
jax: 0.10.2.dev20260603
libtpu: 0.0.44.dev20260713+nightly
codegen_flags: <defaults>
</compile_context>

<pallas_src>
import functools

import jax
import jax.numpy as jnp
from jax import lax
from jax.experimental import pallas as pl
from jax.experimental.pallas import tpu as pltpu
from jax.experimental.pallas import tpu_sc as plsc


def _make_gather(v, d, b_tot, nw, n_chunk, chunk):
    b_per_w = b_tot // nw
    assert b_per_w == n_chunk * chunk

    mesh = plsc.VectorSubcoreMesh(core_axis_name="c", subcore_axis_name="s")

    @functools.partial(
        pl.kernel,
        mesh=mesh,
        out_type=jax.ShapeDtypeStruct((b_tot, d), jnp.float32),
        compiler_params=pltpu.CompilerParams(use_tc_tiling_on_sc=False),
        scratch_types=[
            pltpu.VMEM((b_per_w,), jnp.int32),
            pltpu.VMEM((chunk, d), jnp.float32),
            pltpu.VMEM((chunk, d), jnp.float32),
            pltpu.SemaphoreType.DMA,
            pltpu.SemaphoreType.DMA,
        ],
    )
    def gather_kernel(table_hbm, idx_hbm, out_hbm, idx_v, rows0, rows1, sem0, sem1):
        nc = plsc.get_sparse_core_info().num_cores
        wid = lax.axis_index("s") * nc + lax.axis_index("c")
        base = wid * b_per_w
        pltpu.sync_copy(idx_hbm.at[wid], idx_v)

        bufs = (rows0, rows1)
        sems = (sem0, sem1)
        copies = [
            pltpu.async_copy(
                table_hbm.at[idx_v.at[pl.ds(0, chunk)]], bufs[0], sems[0]
            )
        ]
        for j in range(n_chunk):
            b = j % 2
            copies[j].wait()
            if j + 1 < n_chunk:
                nb = (j + 1) % 2
                copies.append(
                    pltpu.async_copy(
                        table_hbm.at[idx_v.at[pl.ds((j + 1) * chunk, chunk)]],
                        bufs[nb],
                        sems[nb],
                    )
                )
            pltpu.sync_copy(bufs[b], out_hbm.at[pl.ds(base + j * chunk, chunk)])

    return gather_kernel


def kernel(title_text, title_mask, word_embedding):
    batch, title_len = title_text.shape
    v, d = word_embedding.shape
    b_tot = batch * title_len

    info = plsc.get_sparse_core_info()
    nw = info.num_cores * info.num_subcores
    b_per_w = b_tot // nw
    chunk = 128
    n_chunk = b_per_w // chunk

    gather = _make_gather(v, d, b_tot, nw, n_chunk, chunk)
    idx = title_text.reshape(nw, b_per_w)
    out = gather(word_embedding, idx)
    return out.reshape(batch, title_len, d)

# --- scband reference (transcript-rebuilt; emitter-appended) ---
"""Pipeline reference for scband-news-encoder-18056042512902 (READ-ONLY COPY).

The authoritative reference and input builder live on the scoring server;
editing this copy changes nothing except your own understanding.
"""

import jax, jax.numpy as jnp
import numpy as np

VOCAB = 1000000
EMBED_DIM = 64
BATCH = 4096
TITLE_LEN = 20

def setup_inputs(seed: int = 0) -> dict:
    key = jax.random.key(seed)
    k1, k2 = jax.random.split(key, 2)
    title_text = jax.random.randint(k1, (BATCH, TITLE_LEN), 0, VOCAB, dtype=jnp.int64 if jax.config.jax_enable_x64 else jnp.int32).astype(jnp.int32)
    title_mask = jnp.ones((BATCH, TITLE_LEN), dtype=jnp.float32)
    word_embedding = jax.random.normal(k2, (VOCAB, EMBED_DIM), dtype=jnp.float32) * 0.02
    return {"title_text": title_text, "title_mask": title_mask, "word_embedding": word_embedding}

def reference(title_text, title_mask, word_embedding):
    # NewsEncoder base: word embedding lookup; dropout is identity at eval time.
    # title_mask is accepted per signature but unused in the base computation.
    emb = jnp.take(word_embedding, title_text, axis=0)  # [B, L, D]
    # dropout(p=0.2) in eval mode -> identity
    return emb

if __name__ == "__main__":
    import jax
    _d = setup_inputs()
    print(jax.jit(kernel)(*tuple(_d.values())))

</pallas_src>

<mosaic_0001>
#map = affine_map<(d0, d1) -> (0, 0)>
module attributes {stable_mosaic.version = 14 : i64} {
  func.func @gather_kernel(%arg0: i32, %arg1: i32, %arg2: memref<1000000x64xf32, #tpu.memory_space<hbm>>, %arg3: memref<32x2560xi32, #tpu.memory_space<hbm>>, %arg4: memref<81920x64xf32, #tpu.memory_space<hbm>>, %arg5: memref<2560xi32, #tpu.memory_space<vmem>>, %arg6: memref<128x64xf32, #tpu.memory_space<vmem>>, %arg7: memref<128x64xf32, #tpu.memory_space<vmem>>, %arg8: memref<!tpu.dma_semaphore, #tpu.memory_space<semaphore_mem>>, %arg9: memref<!tpu.dma_semaphore, #tpu.memory_space<semaphore_mem>>) attributes {dimension_semantics = [#tpu.dimension_semantics<core_parallel>, #tpu.dimension_semantics<subcore_parallel>], iteration_bounds = array<i64: 2, 16>, scalar_prefetch = 0 : i64, scratch_operands = 5 : i64, tpu.core_type = #tpu.core_type<sc_vector_subcore>, window_params = [{transform_indices = #map}, {transform_indices = #map}, {transform_indices = #map}]} {
    %mul3A = arith.constant 2 : i32
    %mul3A_0 = arith.muli %arg1, %mul3A : i32
    %add3A = arith.addi %mul3A_0, %arg0 : i32
    %mul3A_1 = arith.constant 2560 : i32
    %mul3A_2 = arith.muli %add3A, %mul3A_1 : i32
    "tpu.region"() ({
      %run_scoped3A = tpu.sem_alloc : memref<!tpu.dma_semaphore, #tpu.memory_space<semaphore_mem>>
      %dma_start3A_241 = arith.constant 0 : i32
      %dma_start3A_242 = tpu.memref_slice %arg3[%add3A, %dma_start3A_241] : memref<32x2560xi32, #tpu.memory_space<hbm>> -> memref<1x2560xi32, #tpu.memory_space<hbm>>
      %dma_start3A_243 = tpu.memref_squeeze %dma_start3A_242 : memref<1x2560xi32, #tpu.memory_space<hbm>> -> memref<2560xi32, #tpu.memory_space<hbm>>
      %dma_start3A_244 = arith.constant 0 : i32
      %dma_start3A_245 = tpu.memref_slice %arg3[%add3A, %dma_start3A_244] : memref<32x2560xi32, #tpu.memory_space<hbm>> -> memref<1x2560xi32, #tpu.memory_space<hbm>>
      %dma_start3A_246 = tpu.memref_squeeze %dma_start3A_245 : memref<1x2560xi32, #tpu.memory_space<hbm>> -> memref<2560xi32, #tpu.memory_space<hbm>>
      tpu.enqueue_dma source(%dma_start3A_246 : memref<2560xi32, #tpu.memory_space<hbm>>) target(%arg5 : memref<2560xi32, #tpu.memory_space<vmem>>) target_semaphore(%run_scoped3A : memref<!tpu.dma_semaphore, #tpu.memory_space<semaphore_mem>>)
      %dma_wait3A_247 = arith.constant 0 : i32
      %dma_wait3A_248 = tpu.memref_slice %arg3[%add3A, %dma_wait3A_247] : memref<32x2560xi32, #tpu.memory_space<hbm>> -> memref<1x2560xi32, #tpu.memory_space<hbm>>
      %dma_wait3A_249 = tpu.memref_squeeze %dma_wait3A_248 : memref<1x2560xi32, #tpu.memory_space<hbm>> -> memref<2560xi32, #tpu.memory_space<hbm>>
      %dma_wait3A_250 = arith.constant 0 : i32
      %dma_wait3A_251 = tpu.memref_slice %arg3[%add3A, %dma_wait3A_250] : memref<32x2560xi32, #tpu.memory_space<hbm>> -> memref<1x2560xi32, #tpu.memory_space<hbm>>
      %dma_wait3A_252 = tpu.memref_squeeze %dma_wait3A_251 : memref<1x2560xi32, #tpu.memory_space<hbm>> -> memref<2560xi32, #tpu.memory_space<hbm>>
      tpu.wait_dma2 semaphore(%run_scoped3A : memref<!tpu.dma_semaphore, #tpu.memory_space<semaphore_mem>>) src(%dma_wait3A_252 : memref<2560xi32, #tpu.memory_space<hbm>>) dst(%arg5 : memref<2560xi32, #tpu.memory_space<vmem>>)
      tpu.yield
    }) : () -> ()
    %dma_start3A = arith.constant 0 : i32
    %dma_start3A_3 = tpu.memref_slice %arg5[%dma_start3A] : memref<2560xi32, #tpu.memory_space<vmem>> -> memref<128xi32, #tpu.memory_space<vmem>>
    %dma_start3A_4 = arith.constant 0 : i32
    %dma_start3A_5 = arith.constant 0 : i32
    %dma_start3A_6 = tpu.memref_slice %arg2[%dma_start3A_4, %dma_start3A_5] : memref<1000000x64xf32, #tpu.memory_space<hbm>> -> memref<1000000x64xf32, #tpu.memory_space<hbm>>
    tpu.enqueue_indirect_dma source(%dma_start3A_6 : memref<1000000x64xf32, #tpu.memory_space<hbm>>) target(%arg6 : memref<128x64xf32, #tpu.memory_space<vmem>>) offsets(%dma_start3A_3 : memref<128xi32, #tpu.memory_space<vmem>>) semaphore(%arg8 : memref<!tpu.dma_semaphore, #tpu.memory_space<semaphore_mem>>)
    %dma_wait3A = arith.constant 0 : i32
    %dma_wait3A_7 = tpu.memref_slice %arg5[%dma_wait3A] : memref<2560xi32, #tpu.memory_space<vmem>> -> memref<128xi32, #tpu.memory_space<vmem>>
    %dma_wait3A_8 = arith.constant 0 : i32
    %dma_wait3A_9 = arith.constant 0 : i32
    %dma_wait3A_10 = tpu.memref_slice %arg2[%dma_wait3A_8, %dma_wait3A_9] : memref<1000000x64xf32, #tpu.memory_space<hbm>> -> memref<1000000x64xf32, #tpu.memory_space<hbm>>
    tpu.wait_indirect_dma semaphore(%arg8 : memref<!tpu.dma_semaphore, #tpu.memory_space<semaphore_mem>>) src(%dma_wait3A_10 : memref<1000000x64xf32, #tpu.memory_space<hbm>>) dst(%arg6 : memref<128x64xf32, #tpu.memory_space<vmem>>)
    %dma_start3A_11 = arith.constant 128 : i32
    %dma_start3A_12 = tpu.memref_slice %arg5[%dma_start3A_11] : memref<2560xi32, #tpu.memory_space<vmem>> -> memref<128xi32, #tpu.memory_space<vmem>>
    %dma_start3A_13 = arith.constant 0 : i32
    %dma_start3A_14 = arith.constant 0 : i32
    %dma_start3A_15 = tpu.memref_slice %arg2[%dma_start3A_13, %dma_start3A_14] : memref<1000000x64xf32, #tpu.memory_space<hbm>> -> memref<1000000x64xf32, #tpu.memory_space<hbm>>
    tpu.enqueue_indirect_dma source(%dma_start3A_15 : memref<1000000x64xf32, #tpu.memory_space<hbm>>) target(%arg7 : memref<128x64xf32, #tpu.memory_space<vmem>>) offsets(%dma_start3A_12 : memref<128xi32, #tpu.memory_space<vmem>>) semaphore(%arg9 : memref<!tpu.dma_semaphore, #tpu.memory_space<semaphore_mem>>)
    %add3A_16 = arith.constant 0 : i32
    %add3A_17 = arith.addi %mul3A_2, %add3A_16 : i32
    "tpu.region"() ({
      %run_scoped3A = tpu.sem_alloc : memref<!tpu.dma_semaphore, #tpu.memory_space<semaphore_mem>>
      %dma_start3A_241 = arith.constant 0 : i32
      %dma_start3A_242 = tpu.memref_slice %arg4[%add3A_17, %dma_start3A_241] : memref<81920x64xf32, #tpu.memory_space<hbm>> -> memref<128x64xf32, #tpu.memory_space<hbm>>
      %dma_start3A_243 = arith.constant 0 : i32
      %dma_start3A_244 = tpu.memref_slice %arg4[%add3A_17, %dma_start3A_243] : memref<81920x64xf32, #tpu.memory_space<hbm>> -> memref<128x64xf32, #tpu.memory_space<hbm>>
      tpu.enqueue_dma source(%arg6 : memref<128x64xf32, #tpu.memory_space<vmem>>) target(%dma_start3A_244 : memref<128x64xf32, #tpu.memory_space<hbm>>) target_semaphore(%run_scoped3A : memref<!tpu.dma_semaphore, #tpu.memory_space<semaphore_mem>>)
      %dma_wait3A_245 = arith.constant 0 : i32
      %dma_wait3A_246 = tpu.memref_slice %arg4[%add3A_17, %dma_wait3A_245] : memref<81920x64xf32, #tpu.memory_space<hbm>> -> memref<128x64xf32, #tpu.memory_space<hbm>>
      %dma_wait3A_247 = arith.constant 0 : i32
      %dma_wait3A_248 = tpu.memref_slice %arg4[%add3A_17, %dma_wait3A_247] : memref<81920x64xf32, #tpu.memory_space<hbm>> -> memref<128x64xf32, #tpu.memory_space<hbm>>
      tpu.wait_dma2 semaphore(%run_scoped3A : memref<!tpu.dma_semaphore, #tpu.memory_space<semaphore_mem>>) src(%arg6 : memref<128x64xf32, #tpu.memory_space<vmem>>) dst(%dma_wait3A_248 : memref<128x64xf32, #tpu.memory_space<hbm>>)
      tpu.yield
    }) : () -> ()
    %dma_wait3A_18 = arith.constant 128 : i32
    %dma_wait3A_19 = tpu.memref_slice %arg5[%dma_wait3A_18] : memref<2560xi32, #tpu.memory_space<vmem>> -> memref<128xi32, #tpu.memory_space<vmem>>
    %dma_wait3A_20 = arith.constant 0 : i32
    %dma_wait3A_21 = arith.constant 0 : i32
    %dma_wait3A_22 = tpu.memref_slice %arg2[%dma_wait3A_20, %dma_wait3A_21] : memref<1000000x64xf32, #tpu.memory_space<hbm>> -> memref<1000000x64xf32, #tpu.memory_space<hbm>>
    tpu.wait_indirect_dma semaphore(%arg9 : memref<!tpu.dma_semaphore, #tpu.memory_space<semaphore_mem>>) src(%dma_wait3A_22 : memref<1000000x64xf32, #tpu.memory_space<hbm>>) dst(%arg7 : memref<128x64xf32, #tpu.memory_space<vmem>>)
    %dma_start3A_23 = arith.constant 256 : i32
    %dma_start3A_24 = tpu.memref_slice %arg5[%dma_start3A_23] : memref<2560xi32, #tpu.memory_space<vmem>> -> memref<128xi32, #tpu.memory_space<vmem>>
    %dma_start3A_25 = arith.constant 0 : i32
    %dma_start3A_26 = arith.constant 0 : i32
    %dma_start3A_27 = tpu.memref_slice %arg2[%dma_start3A_25, %dma_start3A_26] : memref<1000000x64xf32, #tpu.memory_space<hbm>> -> memref<1000000x64xf32, #tpu.memory_space<hbm>>
    tpu.enqueue_indirect_dma source(%dma_start3A_27 : memref<1000000x64xf32, #tpu.memory_space<hbm>>) target(%arg6 : memref<128x64xf32, #tpu.memory_space<vmem>>) offsets(%dma_start3A_24 : memref<128xi32, #tpu.memory_space<vmem>>) semaphore(%arg8 : memref<!tpu.dma_semaphore, #tpu.memory_space<semaphore_mem>>)
    %add3A_28 = arith.constant 128 : i32
    %add3A_29 = arith.addi %mul3A_2, %add3A_28 : i32
    "tpu.region"() ({
      %run_scoped3A = tpu.sem_alloc : memref<!tpu.dma_semaphore, #tpu.memory_space<semaphore_mem>>
      %dma_start3A_241 = arith.constant 0 : i32
      %dma_start3A_242 = tpu.memref_slice %arg4[%add3A_29, %dma_start3A_241] : memref<81920x64xf32, #tpu.memory_space<hbm>> -> memref<128x64xf32, #tpu.memory_space<hbm>>
      %dma_start3A_243 = arith.constant 0 : i32
      %dma_start3A_244 = tpu.memref_slice %arg4[%add3A_29, %dma_start3A_243] : memref<81920x64xf32, #tpu.memory_space<hbm>> -> memref<128x64xf32, #tpu.memory_space<hbm>>
      tpu.enqueue_dma source(%arg7 : memref<128x64xf32, #tpu.memory_space<vmem>>) target(%dma_start3A_244 : memref<128x64xf32, #tpu.memory_space<hbm>>) target_semaphore(%run_scoped3A : memref<!tpu.dma_semaphore, #tpu.memory_space<semaphore_mem>>)
      %dma_wait3A_245 = arith.constant 0 : i32
      %dma_wait3A_246 = tpu.memref_slice %arg4[%add3A_29, %dma_wait3A_245] : memref<81920x64xf32, #tpu.memory_space<hbm>> -> memref<128x64xf32, #tpu.memory_space<hbm>>
      %dma_wait3A_247 = arith.constant 0 : i32
      %dma_wait3A_248 = tpu.memref_slice %arg4[%add3A_29, %dma_wait3A_247] : memref<81920x64xf32, #tpu.memory_space<hbm>> -> memref<128x64xf32, #tpu.memory_space<hbm>>
      tpu.wait_dma2 semaphore(%run_scoped3A : memref<!tpu.dma_semaphore, #tpu.memory_space<semaphore_mem>>) src(%arg7 : memref<128x64xf32, #tpu.memory_space<vmem>>) dst(%dma_wait3A_248 : memref<128x64xf32, #tpu.memory_space<hbm>>)
      tpu.yield
    }) : () -> ()
    %dma_wait3A_30 = arith.constant 256 : i32
    %dma_wait3A_31 = tpu.memref_slice %arg5[%dma_wait3A_30] : memref<2560xi32, #tpu.memory_space<vmem>> -> memref<128xi32, #tpu.memory_space<vmem>>
    %dma_wait3A_32 = arith.constant 0 : i32
    %dma_wait3A_33 = arith.constant 0 : i32
    %dma_wait3A_34 = tpu.memref_slice %arg2[%dma_wait3A_32, %dma_wait3A_33] : memref<1000000x64xf32, #tpu.memory_space<hbm>> -> memref<1000000x64xf32, #tpu.memory_space<hbm>>
    tpu.wait_indirect_dma semaphore(%arg8 : memref<!tpu.dma_semaphore, #tpu.memory_space<semaphore_mem>>) src(%dma_wait3A_34 : memref<1000000x64xf32, #tpu.memory_space<hbm>>) dst(%arg6 : memref<128x64xf32, #tpu.memory_space<vmem>>)
    %dma_start3A_35 = arith.constant 384 : i32
    %dma_start3A_36 = tpu.memref_slice %arg5[%dma_start3A_35] : memref<2560xi32, #tpu.memory_space<vmem>> -> memref<128xi32, #tpu.memory_space<vmem>>
    %dma_start3A_37 = arith.constant 0 : i32
    %dma_start3A_38 = arith.constant 0 : i32
    %dma_start3A_39 = tpu.memref_slice %arg2[%dma_start3A_37, %dma_start3A_38] : memref<1000000x64xf32, #tpu.memory_space<hbm>> -> memref<1000000x64xf32, #tpu.memory_space<hbm>>
    tpu.enqueue_indirect_dma source(%dma_start3A_39 : memref<1000000x64xf32, #tpu.memory_space<hbm>>) target(%arg7 : memref<128x64xf32, #tpu.memory_space<vmem>>) offsets(%dma_start3A_36 : memref<128xi32, #tpu.memory_space<vmem>>) semaphore(%arg9 : memref<!tpu.dma_semaphore, #tpu.memory_space<semaphore_mem>>)
    %add3A_40 = arith.constant 256 : i32
    %add3A_41 = arith.addi %mul3A_2, %add3A_40 : i32
    "tpu.region"() ({
      %run_scoped3A = tpu.sem_alloc : memref<!tpu.dma_semaphore, #tpu.memory_space<semaphore_mem>>
      %dma_start3A_241 = arith.constant 0 : i32
      %dma_start3A_242 = tpu.memref_slice %arg4[%add3A_41, %dma_start3A_241] : memref<81920x64xf32, #tpu.memory_space<hbm>> -> memref<128x64xf32, #tpu.memory_space<hbm>>
      %dma_start3A_243 = arith.constant 0 : i32
      %dma_start3A_244 = tpu.memref_slice %arg4[%add3A_41, %dma_start3A_243] : memref<81920x64xf32, #tpu.memory_space<hbm>> -> memref<128x64xf32, #tpu.memory_space<hbm>>
      tpu.enqueue_dma source(%arg6 : memref<128x64xf32, #tpu.memory_space<vmem>>) target(%dma_start3A_244 : memref<128x64xf32, #tpu.memory_space<hbm>>) target_semaphore(%run_scoped3A : memref<!tpu.dma_semaphore, #tpu.memory_space<semaphore_mem>>)
      %dma_wait3A_245 = arith.constant 0 : i32
      %dma_wait3A_246 = tpu.memref_slice %arg4[%add3A_41, %dma_wait3A_245] : memref<81920x64xf32, #tpu.memory_space<hbm>> -> memref<128x64xf32, #tpu.memory_space<hbm>>
      %dma_wait3A_247 = arith.constant 0 : i32
      %dma_wait3A_248 = tpu.memref_slice %arg4[%add3A_41, %dma_wait3A_247] : memref<81920x64xf32, #tpu.memory_space<hbm>> -> memref<128x64xf32, #tpu.memory_space<hbm>>
      tpu.wait_dma2 semaphore(%run_scoped3A : memref<!tpu.dma_semaphore, #tpu.memory_space<semaphore_mem>>) src(%arg6 : memref<128x64xf32, #tpu.memory_space<vmem>>) dst(%dma_wait3A_248 : memref<128x64xf32, #tpu.memory_space<hbm>>)
      tpu.yield
    }) : () -> ()
    %dma_wait3A_42 = arith.constant 384 : i32
    %dma_wait3A_43 = tpu.memref_slice %arg5[%dma_wait3A_42] : memref<2560xi32, #tpu.memory_space<vmem>> -> memref<128xi32, #tpu.memory_space<vmem>>
    %dma_wait3A_44 = arith.constant 0 : i32
    %dma_wait3A_45 = arith.constant 0 : i32
    %dma_wait3A_46 = tpu.memref_slice %arg2[%dma_wait3A_44, %dma_wait3A_45] : memref<1000000x64xf32, #tpu.memory_space<hbm>> -> memref<1000000x64xf32, #tpu.memory_space<hbm>>
    tpu.wait_indirect_dma semaphore(%arg9 : memref<!tpu.dma_semaphore, #tpu.memory_space<semaphore_mem>>) src(%dma_wait3A_46 : memref<1000000x64xf32, #tpu.memory_space<hbm>>) dst(%arg7 : memref<128x64xf32, #tpu.memory_space<vmem>>)
    %dma_start3A_47 = arith.constant 512 : i32
    %dma_start3A_48 = tpu.memref_slice %arg5[%dma_start3A_47] : memref<2560xi32, #tpu.memory_space<vmem>> -> memref<128xi32, #tpu.memory_space<vmem>>
    %dma_start3A_49 = arith.constant 0 : i32
    %dma_start3A_50 = arith.constant 0 : i32
    %dma_start3A_51 = tpu.memref_slice %arg2[%dma_start3A_49, %dma_start3A_50] : memref<1000000x64xf32, #tpu.memory_space<hbm>> -> memref<1000000x64xf32, #tpu.memory_space<hbm>>
    tpu.enqueue_indirect_dma source(%dma_start3A_51 : memref<1000000x64xf32, #tpu.memory_space<hbm>>) target(%arg6 : memref<128x64xf32, #tpu.memory_space<vmem>>) offsets(%dma_start3A_48 : memref<128xi32, #tpu.memory_space<vmem>>) semaphore(%arg8 : memref<!tpu.dma_semaphore, #tpu.memory_space<semaphore_mem>>)
    %add3A_52 = arith.constant 384 : i32
    %add3A_53 = arith.addi %mul3A_2, %add3A_52 : i32
    "tpu.region"() ({
      %run_scoped3A = tpu.sem_alloc : memref<!tpu.dma_semaphore, #tpu.memory_space<semaphore_mem>>
      %dma_start3A_241 = arith.constant 0 : i32
      %dma_start3A_242 = tpu.memref_slice %arg4[%add3A_53, %dma_start3A_241] : memref<81920x64xf32, #tpu.memory_space<hbm>> -> memref<128x64xf32, #tpu.memory_space<hbm>>
      %dma_start3A_243 = arith.constant 0 : i32
      %dma_start3A_244 = tpu.memref_slice %arg4[%add3A_53, %dma_start3A_243] : memref<81920x64xf32, #tpu.memory_space<hbm>> -> memref<128x64xf32, #tpu.memory_space<hbm>>
      tpu.enqueue_dma source(%arg7 : memref<128x64xf32, #tpu.memory_space<vmem>>) target(%dma_start3A_244 : memref<128x64xf32, #tpu.memory_space<hbm>>) target_semaphore(%run_scoped3A : memref<!tpu.dma_semaphore, #tpu.memory_space<semaphore_mem>>)
      %dma_wait3A_245 = arith.constant 0 : i32
      %dma_wait3A_246 = tpu.memref_slice %arg4[%add3A_53, %dma_wait3A_245] : memref<81920x64xf32, #tpu.memory_space<hbm>> -> memref<128x64xf32, #tpu.memory_space<hbm>>
      %dma_wait3A_247 = arith.constant 0 : i32
      %dma_wait3A_248 = tpu.memref_slice %arg4[%add3A_53, %dma_wait3A_247] : memref<81920x64xf32, #tpu.memory_space<hbm>> -> memref<128x64xf32, #tpu.memory_space<hbm>>
      tpu.wait_dma2 semaphore(%run_scoped3A : memref<!tpu.dma_semaphore, #tpu.memory_space<semaphore_mem>>) src(%arg7 : memref<128x64xf32, #tpu.memory_space<vmem>>) dst(%dma_wait3A_248 : memref<128x64xf32, #tpu.memory_space<hbm>>)
      tpu.yield
    }) : () -> ()
    %dma_wait3A_54 = arith.constant 512 : i32
    %dma_wait3A_55 = tpu.memref_slice %arg5[%dma_wait3A_54] : memref<2560xi32, #tpu.memory_space<vmem>> -> memref<128xi32, #tpu.memory_space<vmem>>
    %dma_wait3A_56 = arith.constant 0 : i32
    %dma_wait3A_57 = arith.constant 0 : i32
    %dma_wait3A_58 = tpu.memref_slice %arg2[%dma_wait3A_56, %dma_wait3A_57] : memref<1000000x64xf32, #tpu.memory_space<hbm>> -> memref<1000000x64xf32, #tpu.memory_space<hbm>>
    tpu.wait_indirect_dma semaphore(%arg8 : memref<!tpu.dma_semaphore, #tpu.memory_space<semaphore_mem>>) src(%dma_wait3A_58 : memref<1000000x64xf32, #tpu.memory_space<hbm>>) dst(%arg6 : memref<128x64xf32, #tpu.memory_space<vmem>>)
    %dma_start3A_59 = arith.constant 640 : i32
    %dma_start3A_60 = tpu.memref_slice %arg5[%dma_start3A_59] : memref<2560xi32, #tpu.memory_space<vmem>> -> memref<128xi32, #tpu.memory_space<vmem>>
    %dma_start3A_61 = arith.constant 0 : i32
    %dma_start3A_62 = arith.constant 0 : i32
    %dma_start3A_63 = tpu.memref_slice %arg2[%dma_start3A_61, %dma_start3A_62] : memref<1000000x64xf32, #tpu.memory_space<hbm>> -> memref<1000000x64xf32, #tpu.memory_space<hbm>>
    tpu.enqueue_indirect_dma source(%dma_start3A_63 : memref<1000000x64xf32, #tpu.memory_space<hbm>>) target(%arg7 : memref<128x64xf32, #tpu.memory_space<vmem>>) offsets(%dma_start3A_60 : memref<128xi32, #tpu.memory_space<vmem>>) semaphore(%arg9 : memref<!tpu.dma_semaphore, #tpu.memory_space<semaphore_mem>>)
    %add3A_64 = arith.constant 512 : i32
    %add3A_65 = arith.addi %mul3A_2, %add3A_64 : i32
    "tpu.region"() ({
      %run_scoped3A = tpu.sem_alloc : memref<!tpu.dma_semaphore, #tpu.memory_space<semaphore_mem>>
      %dma_start3A_241 = arith.constant 0 : i32
      %dma_start3A_242 = tpu.memref_slice %arg4[%add3A_65, %dma_start3A_241] : memref<81920x64xf32, #tpu.memory_space<hbm>> -> memref<128x64xf32, #tpu.memory_space<hbm>>
      %dma_start3A_243 = arith.constant 0 : i32
      %dma_start3A_244 = tpu.memref_slice %arg4[%add3A_65, %dma_start3A_243] : memref<81920x64xf32, #tpu.memory_space<hbm>> -> memref<128x64xf32, #tpu.memory_space<hbm>>
      tpu.enqueue_dma source(%arg6 : memref<128x64xf32, #tpu.memory_space<vmem>>) target(%dma_start3A_244 : memref<128x64xf32, #tpu.memory_space<hbm>>) target_semaphore(%run_scoped3A : memref<!tpu.dma_semaphore, #tpu.memory_space<semaphore_mem>>)
      %dma_wait3A_245 = arith.constant 0 : i32
      %dma_wait3A_246 = tpu.memref_slice %arg4[%add3A_65, %dma_wait3A_245] : memref<81920x64xf32, #tpu.memory_space<hbm>> -> memref<128x64xf32, #tpu.memory_space<hbm>>
      %dma_wait3A_247 = arith.constant 0 : i32
      %dma_wait3A_248 = tpu.memref_slice %arg4[%add3A_65, %dma_wait3A_247] : memref<81920x64xf32, #tpu.memory_space<hbm>> -> memref<128x64xf32, #tpu.memory_space<hbm>>
      tpu.wait_dma2 semaphore(%run_scoped3A : memref<!tpu.dma_semaphore, #tpu.memory_space<semaphore_mem>>) src(%arg6 : memref<128x64xf32, #tpu.memory_space<vmem>>) dst(%dma_wait3A_248 : memref<128x64xf32, #tpu.memory_space<hbm>>)
      tpu.yield
    }) : () -> ()
    %dma_wait3A_66 = arith.constant 640 : i32
    %dma_wait3A_67 = tpu.memref_slice %arg5[%dma_wait3A_66] : memref<2560xi32, #tpu.memory_space<vmem>> -> memref<128xi32, #tpu.memory_space<vmem>>
    %dma_wait3A_68 = arith.constant 0 : i32
    %dma_wait3A_69 = arith.constant 0 : i32
    %dma_wait3A_70 = tpu.memref_slice %arg2[%dma_wait3A_68, %dma_wait3A_69] : memref<1000000x64xf32, #tpu.memory_space<hbm>> -> memref<1000000x64xf32, #tpu.memory_space<hbm>>
    tpu.wait_indirect_dma semaphore(%arg9 : memref<!tpu.dma_semaphore, #tpu.memory_space<semaphore_mem>>) src(%dma_wait3A_70 : memref<1000000x64xf32, #tpu.memory_space<hbm>>) dst(%arg7 : memref<128x64xf32, #tpu.memory_space<vmem>>)
    %dma_start3A_71 = arith.constant 768 : i32
    %dma_start3A_72 = tpu.memref_slice %arg5[%dma_start3A_71] : memref<2560xi32, #tpu.memory_space<vmem>> -> memref<128xi32, #tpu.memory_space<vmem>>
    %dma_start3A_73 = arith.constant 0 : i32
    %dma_start3A_74 = arith.constant 0 : i32
    %dma_start3A_75 = tpu.memref_slice %arg2[%dma_start3A_73, %dma_start3A_74] : memref<1000000x64xf32, #tpu.memory_space<hbm>> -> memref<1000000x64xf32, #tpu.memory_space<hbm>>
    tpu.enqueue_indirect_dma source(%dma_start3A_75 : memref<1000000x64xf32, #tpu.memory_space<hbm>>) target(%arg6 : memref<128x64xf32, #tpu.memory_space<vmem>>) offsets(%dma_start3A_72 : memref<128xi32, #tpu.memory_space<vmem>>) semaphore(%arg8 : memref<!tpu.dma_semaphore, #tpu.memory_space<semaphore_mem>>)
    %add3A_76 = arith.constant 640 : i32
    %add3A_77 = arith.addi %mul3A_2, %add3A_76 : i32
    "tpu.region"() ({
      %run_scoped3A = tpu.sem_alloc : memref<!tpu.dma_semaphore, #tpu.memory_space<semaphore_mem>>
      %dma_start3A_241 = arith.constant 0 : i32
      %dma_start3A_242 = tpu.memref_slice %arg4[%add3A_77, %dma_start3A_241] : memref<81920x64xf32, #tpu.memory_space<hbm>> -> memref<128x64xf32, #tpu.memory_space<hbm>>
      %dma_start3A_243 = arith.constant 0 : i32
      %dma_start3A_244 = tpu.memref_slice %arg4[%add3A_77, %dma_start3A_243] : memref<81920x64xf32, #tpu.memory_space<hbm>> -> memref<128x64xf32, #tpu.memory_space<hbm>>
      tpu.enqueue_dma source(%arg7 : memref<128x64xf32, #tpu.memory_space<vmem>>) target(%dma_start3A_244 : memref<128x64xf32, #tpu.memory_space<hbm>>) target_semaphore(%run_scoped3A : memref<!tpu.dma_semaphore, #tpu.memory_space<semaphore_mem>>)
      %dma_wait3A_245 = arith.constant 0 : i32
      %dma_wait3A_246 = tpu.memref_slice %arg4[%add3A_77, %dma_wait3A_245] : memref<81920x64xf32, #tpu.memory_space<hbm>> -> memref<128x64xf32, #tpu.memory_space<hbm>>
      %dma_wait3A_247 = arith.constant 0 : i32
      %dma_wait3A_248 = tpu.memref_slice %arg4[%add3A_77, %dma_wait3A_247] : memref<81920x64xf32, #tpu.memory_space<hbm>> -> memref<128x64xf32, #tpu.memory_space<hbm>>
      tpu.wait_dma2 semaphore(%run_scoped3A : memref<!tpu.dma_semaphore, #tpu.memory_space<semaphore_mem>>) src(%arg7 : memref<128x64xf32, #tpu.memory_space<vmem>>) dst(%dma_wait3A_248 : memref<128x64xf32, #tpu.memory_space<hbm>>)
      tpu.yield
    }) : () -> ()
    %dma_wait3A_78 = arith.constant 768 : i32
    %dma_wait3A_79 = tpu.memref_slice %arg5[%dma_wait3A_78] : memref<2560xi32, #tpu.memory_space<vmem>> -> memref<128xi32, #tpu.memory_space<vmem>>
    %dma_wait3A_80 = arith.constant 0 : i32
    %dma_wait3A_81 = arith.constant 0 : i32
    %dma_wait3A_82 = tpu.memref_slice %arg2[%dma_wait3A_80, %dma_wait3A_81] : memref<1000000x64xf32, #tpu.memory_space<hbm>> -> memref<1000000x64xf32, #tpu.memory_space<hbm>>
    tpu.wait_indirect_dma semaphore(%arg8 : memref<!tpu.dma_semaphore, #tpu.memory_space<semaphore_mem>>) src(%dma_wait3A_82 : memref<1000000x64xf32, #tpu.memory_space<hbm>>) dst(%arg6 : memref<128x64xf32, #tpu.memory_space<vmem>>)
    %dma_start3A_83 = arith.constant 896 : i32
    %dma_start3A_84 = tpu.memref_slice %arg5[%dma_start3A_83] : memref<2560xi32, #tpu.memory_space<vmem>> -> memref<128xi32, #tpu.memory_space<vmem>>
    %dma_start3A_85 = arith.constant 0 : i32
    %dma_start3A_86 = arith.constant 0 : i32
    %dma_start3A_87 = tpu.memref_slice %arg2[%dma_start3A_85, %dma_start3A_86] : memref<1000000x64xf32, #tpu.memory_space<hbm>> -> memref<1000000x64xf32, #tpu.memory_space<hbm>>
    tpu.enqueue_indirect_dma source(%dma_start3A_87 : memref<1000000x64xf32, #tpu.memory_space<hbm>>) target(%arg7 : memref<128x64xf32, #tpu.memory_space<vmem>>) offsets(%dma_start3A_84 : memref<128xi32, #tpu.memory_space<vmem>>) semaphore(%arg9 : memref<!tpu.dma_semaphore, #tpu.memory_space<semaphore_mem>>)
    %add3A_88 = arith.constant 768 : i32
    %add3A_89 = arith.addi %mul3A_2, %add3A_88 : i32
    "tpu.region"() ({
      %run_scoped3A = tpu.sem_alloc : memref<!tpu.dma_semaphore, #tpu.memory_space<semaphore_mem>>
      %dma_start3A_241 = arith.constant 0 : i32
      %dma_start3A_242 = tpu.memref_slice %arg4[%add3A_89, %dma_start3A_241] : memref<81920x64xf32, #tpu.memory_space<hbm>> -> memref<128x64xf32, #tpu.memory_space<hbm>>
      %dma_start3A_243 = arith.constant 0 : i32
      %dma_start3A_244 = tpu.memref_slice %arg4[%add3A_89, %dma_start3A_243] : memref<81920x64xf32, #tpu.memory_space<hbm>> -> memref<128x64xf32, #tpu.memory_space<hbm>>
      tpu.enqueue_dma source(%arg6 : memref<128x64xf32, #tpu.memory_space<vmem>>) target(%dma_start3A_244 : memref<128x64xf32, #tpu.memory_space<hbm>>) target_semaphore(%run_scoped3A : memref<!tpu.dma_semaphore, #tpu.memory_space<semaphore_mem>>)
      %dma_wait3A_245 = arith.constant 0 : i32
      %dma_wait3A_246 = tpu.memref_slice %arg4[%add3A_89, %dma_wait3A_245] : memref<81920x64xf32, #tpu.memory_space<hbm>> -> memref<128x64xf32, #tpu.memory_space<hbm>>
      %dma_wait3A_247 = arith.constant 0 : i32
      %dma_wait3A_248 = tpu.memref_slice %arg4[%add3A_89, %dma_wait3A_247] : memref<81920x64xf32, #tpu.memory_space<hbm>> -> memref<128x64xf32, #tpu.memory_space<hbm>>
      tpu.wait_dma2 semaphore(%run_scoped3A : memref<!tpu.dma_semaphore, #tpu.memory_space<semaphore_mem>>) src(%arg6 : memref<128x64xf32, #tpu.memory_space<vmem>>) dst(%dma_wait3A_248 : memref<128x64xf32, #tpu.memory_space<hbm>>)
      tpu.yield
    }) : () -> ()
    %dma_wait3A_90 = arith.constant 896 : i32
    %dma_wait3A_91 = tpu.memref_slice %arg5[%dma_wait3A_90] : memref<2560xi32, #tpu.memory_space<vmem>> -> memref<128xi32, #tpu.memory_space<vmem>>
    %dma_wait3A_92 = arith.constant 0 : i32
    %dma_wait3A_93 = arith.constant 0 : i32
    %dma_wait3A_94 = tpu.memref_slice %arg2[%dma_wait3A_92, %dma_wait3A_93] : memref<1000000x64xf32, #tpu.memory_space<hbm>> -> memref<1000000x64xf32, #tpu.memory_space<hbm>>
    tpu.wait_indirect_dma semaphore(%arg9 : memref<!tpu.dma_semaphore, #tpu.memory_space<semaphore_mem>>) src(%dma_wait3A_94 : memref<1000000x64xf32, #tpu.memory_space<hbm>>) dst(%arg7 : memref<128x64xf32, #tpu.memory_space<vmem>>)
    %dma_start3A_95 = arith.constant 1024 : i32
    %dma_start3A_96 = tpu.memref_slice %arg5[%dma_start3A_95] : memref<2560xi32, #tpu.memory_space<vmem>> -> memref<128xi32, #tpu.memory_space<vmem>>
    %dma_start3A_97 = arith.constant 0 : i32
    %dma_start3A_98 = arith.constant 0 : i32
    %dma_start3A_99 = tpu.memref_slice %arg2[%dma_start3A_97, %dma_start3A_98] : memref<1000000x64xf32, #tpu.memory_space<hbm>> -> memref<1000000x64xf32, #tpu.memory_space<hbm>>
    tpu.enqueue_indirect_dma source(%dma_start3A_99 : memref<1000000x64xf32, #tpu.memory_space<hbm>>) target(%arg6 : memref<128x64xf32, #tpu.memory_space<vmem>>) offsets(%dma_start3A_96 : memref<128xi32, #tpu.memory_space<vmem>>) semaphore(%arg8 : memref<!tpu.dma_semaphore, #tpu.memory_space<semaphore_mem>>)
    %add3A_100 = arith.constant 896 : i32
    %add3A_101 = arith.addi %mul3A_2, %add3A_100 : i32
    "tpu.region"() ({
      %run_scoped3A = tpu.sem_alloc : memref<!tpu.dma_semaphore, #tpu.memory_space<semaphore_mem>>
      %dma_start3A_241 = arith.constant 0 : i32
      %dma_start3A_242 = tpu.memref_slice %arg4[%add3A_101, %dma_start3A_241] : memref<81920x64xf32, #tpu.memory_space<hbm>> -> memref<128x64xf32, #tpu.memory_space<hbm>>
      %dma_start3A_243 = arith.constant 0 : i32
      %dma_start3A_244 = tpu.memref_slice %arg4[%add3A_101, %dma_start3A_243] : memref<81920x64xf32, #tpu.memory_space<hbm>> -> memref<128x64xf32, #tpu.memory_space<hbm>>
      tpu.enqueue_dma source(%arg7 : memref<128x64xf32, #tpu.memory_space<vmem>>) target(%dma_start3A_244 : memref<128x64xf32, #tpu.memory_space<hbm>>) target_semaphore(%run_scoped3A : memref<!tpu.dma_semaphore, #tpu.memory_space<semaphore_mem>>)
      %dma_wait3A_245 = arith.constant 0 : i32
      %dma_wait3A_246 = tpu.memref_slice %arg4[%add3A_101, %dma_wait3A_245] : memref<81920x64xf32, #tpu.memory_space<hbm>> -> memref<128x64xf32, #tpu.memory_space<hbm>>
      %dma_wait3A_247 = arith.constant 0 : i32
      %dma_wait3A_248 = tpu.memref_slice %arg4[%add3A_101, %dma_wait3A_247] : memref<81920x64xf32, #tpu.memory_space<hbm>> -> memref<128x64xf32, #tpu.memory_space<hbm>>
      tpu.wait_dma2 semaphore(%run_scoped3A : memref<!tpu.dma_semaphore, #tpu.memory_space<semaphore_mem>>) src(%arg7 : memref<128x64xf32, #tpu.memory_space<vmem>>) dst(%dma_wait3A_248 : memref<128x64xf32, #tpu.memory_space<hbm>>)
      tpu.yield
    }) : () -> ()
    %dma_wait3A_102 = arith.constant 1024 : i32
    %dma_wait3A_103 = tpu.memref_slice %arg5[%dma_wait3A_102] : memref<2560xi32, #tpu.memory_space<vmem>> -> memref<128xi32, #tpu.memory_space<vmem>>
    %dma_wait3A_104 = arith.constant 0 : i32
    %dma_wait3A_105 = arith.constant 0 : i32
    %dma_wait3A_106 = tpu.memref_slice %arg2[%dma_wait3A_104, %dma_wait3A_105] : memref<1000000x64xf32, #tpu.memory_space<hbm>> -> memref<1000000x64xf32, #tpu.memory_space<hbm>>
    tpu.wait_indirect_dma semaphore(%arg8 : memref<!tpu.dma_semaphore, #tpu.memory_space<semaphore_mem>>) src(%dma_wait3A_106 : memref<1000000x64xf32, #tpu.memory_space<hbm>>) dst(%arg6 : memref<128x64xf32, #tpu.memory_space<vmem>>)
    %dma_start3A_107 = arith.constant 1152 : i32
    %dma_start3A_108 = tpu.memref_slice %arg5[%dma_start3A_107] : memref<2560xi32, #tpu.memory_space<vmem>> -> memref<128xi32, #tpu.memory_space<vmem>>
    %dma_start3A_109 = arith.constant 0 : i32
    %dma_start3A_110 = arith.constant 0 : i32
    %dma_start3A_111 = tpu.memref_slice %arg2[%dma_start3A_109, %dma_start3A_110] : memref<1000000x64xf32, #tpu.memory_space<hbm>> -> memref<1000000x64xf32, #tpu.memory_space<hbm>>
    tpu.enqueue_indirect_dma source(%dma_start3A_111 : memref<1000000x64xf32, #tpu.memory_space<hbm>>) target(%arg7 : memref<128x64xf32, #tpu.memory_space<vmem>>) offsets(%dma_start3A_108 : memref<128xi32, #tpu.memory_space<vmem>>) semaphore(%arg9 : memref<!tpu.dma_semaphore, #tpu.memory_space<semaphore_mem>>)
    %add3A_112 = arith.constant 1024 : i32
    %add3A_113 = arith.addi %mul3A_2, %add3A_112 : i32
    "tpu.region"() ({
      %run_scoped3A = tpu.sem_alloc : memref<!tpu.dma_semaphore, #tpu.memory_space<semaphore_mem>>
      %dma_start3A_241 = arith.constant 0 : i32
      %dma_start3A_242 = tpu.memref_slice %arg4[%add3A_113, %dma_start3A_241] : memref<81920x64xf32, #tpu.memory_space<hbm>> -> memref<128x64xf32, #tpu.memory_space<hbm>>
      %dma_start3A_243 = arith.constant 0 : i32
      %dma_start3A_244 = tpu.memref_slice %arg4[%add3A_113, %dma_start3A_243] : memref<81920x64xf32, #tpu.memory_space<hbm>> -> memref<128x64xf32, #tpu.memory_space<hbm>>
      tpu.enqueue_dma source(%arg6 : memref<128x64xf32, #tpu.memory_space<vmem>>) target(%dma_start3A_244 : memref<128x64xf32, #tpu.memory_space<hbm>>) target_semaphore(%run_scoped3A : memref<!tpu.dma_semaphore, #tpu.memory_space<semaphore_mem>>)
      %dma_wait3A_245 = arith.constant 0 : i32
      %dma_wait3A_246 = tpu.memref_slice %arg4[%add3A_113, %dma_wait3A_245] : memref<81920x64xf32, #tpu.memory_space<hbm>> -> memref<128x64xf32, #tpu.memory_space<hbm>>
      %dma_wait3A_247 = arith.constant 0 : i32
      %dma_wait3A_248 = tpu.memref_slice %arg4[%add3A_113, %dma_wait3A_247] : memref<81920x64xf32, #tpu.memory_space<hbm>> -> memref<128x64xf32, #tpu.memory_space<hbm>>
      tpu.wait_dma2 semaphore(%run_scoped3A : memref<!tpu.dma_semaphore, #tpu.memory_space<semaphore_mem>>) src(%arg6 : memref<128x64xf32, #tpu.memory_space<vmem>>) dst(%dma_wait3A_248 : memref<128x64xf32, #tpu.memory_space<hbm>>)
      tpu.yield
    }) : () -> ()
    %dma_wait3A_114 = arith.constant 1152 : i32
    %dma_wait3A_115 = tpu.memref_slice %arg5[%dma_wait3A_114] : memref<2560xi32, #tpu.memory_space<vmem>> -> memref<128xi32, #tpu.memory_space<vmem>>
    %dma_wait3A_116 = arith.constant 0 : i32
    %dma_wait3A_117 = arith.constant 0 : i32
    %dma_wait3A_118 = tpu.memref_slice %arg2[%dma_wait3A_116, %dma_wait3A_117] : memref<1000000x64xf32, #tpu.memory_space<hbm>> -> memref<1000000x64xf32, #tpu.memory_space<hbm>>
    tpu.wait_indirect_dma semaphore(%arg9 : memref<!tpu.dma_semaphore, #tpu.memory_space<semaphore_mem>>) src(%dma_wait3A_118 : memref<1000000x64xf32, #tpu.memory_space<hbm>>) dst(%arg7 : memref<128x64xf32, #tpu.memory_space<vmem>>)
    %dma_start3A_119 = arith.constant 1280 : i32
    %dma_start3A_120 = tpu.memref_slice %arg5[%dma_start3A_119] : memref<2560xi32, #tpu.memory_space<vmem>> -> memref<128xi32, #tpu.memory_space<vmem>>
    %dma_start3A_121 = arith.constant 0 : i32
    %dma_start3A_122 = arith.constant 0 : i32
    %dma_start3A_123 = tpu.memref_slice %arg2[%dma_start3A_121, %dma_start3A_122] : memref<1000000x64xf32, #tpu.memory_space<hbm>> -> memref<1000000x64xf32, #tpu.memory_space<hbm>>
    tpu.enqueue_indirect_dma source(%dma_start3A_123 : memref<1000000x64xf32, #tpu.memory_space<hbm>>) target(%arg6 : memref<128x64xf32, #tpu.memory_space<vmem>>) offsets(%dma_start3A_120 : memref<128xi32, #tpu.memory_space<vmem>>) semaphore(%arg8 : memref<!tpu.dma_semaphore, #tpu.memory_space<semaphore_mem>>)
    %add3A_124 = arith.constant 1152 : i32
    %add3A_125 = arith.addi %mul3A_2, %add3A_124 : i32
    "tpu.region"() ({
      %run_scoped3A = tpu.sem_alloc : memref<!tpu.dma_semaphore, #tpu.memory_space<semaphore_mem>>
      %dma_start3A_241 = arith.constant 0 : i32
      %dma_start3A_242 = tpu.memref_slice %arg4[%add3A_125, %dma_start3A_241] : memref<81920x64xf32, #tpu.memory_space<hbm>> -> memref<128x64xf32, #tpu.memory_space<hbm>>
      %dma_start3A_243 = arith.constant 0 : i32
      %dma_start3A_244 = tpu.memref_slice %arg4[%add3A_125, %dma_start3A_243] : memref<81920x64xf32, #tpu.memory_space<hbm>> -> memref<128x64xf32, #tpu.memory_space<hbm>>
      tpu.enqueue_dma source(%arg7 : memref<128x64xf32, #tpu.memory_space<vmem>>) target(%dma_start3A_244 : memref<128x64xf32, #tpu.memory_space<hbm>>) target_semaphore(%run_scoped3A : memref<!tpu.dma_semaphore, #tpu.memory_space<semaphore_mem>>)
      %dma_wait3A_245 = arith.constant 0 : i32
      %dma_wait3A_246 = tpu.memref_slice %arg4[%add3A_125, %dma_wait3A_245] : memref<81920x64xf32, #tpu.memory_space<hbm>> -> memref<128x64xf32, #tpu.memory_space<hbm>>
      %dma_wait3A_247 = arith.constant 0 : i32
      %dma_wait3A_248 = tpu.memref_slice %arg4[%add3A_125, %dma_wait3A_247] : memref<81920x64xf32, #tpu.memory_space<hbm>> -> memref<128x64xf32, #tpu.memory_space<hbm>>
      tpu.wait_dma2 semaphore(%run_scoped3A : memref<!tpu.dma_semaphore, #tpu.memory_space<semaphore_mem>>) src(%arg7 : memref<128x64xf32, #tpu.memory_space<vmem>>) dst(%dma_wait3A_248 : memref<128x64xf32, #tpu.memory_space<hbm>>)
      tpu.yield
    }) : () -> ()
    %dma_wait3A_126 = arith.constant 1280 : i32
    %dma_wait3A_127 = tpu.memref_slice %arg5[%dma_wait3A_126] : memref<2560xi32, #tpu.memory_space<vmem>> -> memref<128xi32, #tpu.memory_space<vmem>>
    %dma_wait3A_128 = arith.constant 0 : i32
    %dma_wait3A_129 = arith.constant 0 : i32
    %dma_wait3A_130 = tpu.memref_slice %arg2[%dma_wait3A_128, %dma_wait3A_129] : memref<1000000x64xf32, #tpu.memory_space<hbm>> -> memref<1000000x64xf32, #tpu.memory_space<hbm>>
    tpu.wait_indirect_dma semaphore(%arg8 : memref<!tpu.dma_semaphore, #tpu.memory_space<semaphore_mem>>) src(%dma_wait3A_130 : memref<1000000x64xf32, #tpu.memory_space<hbm>>) dst(%arg6 : memref<128x64xf32, #tpu.memory_space<vmem>>)
    %dma_start3A_131 = arith.constant 1408 : i32
    %dma_start3A_132 = tpu.memref_slice %arg5[%dma_start3A_131] : memref<2560xi32, #tpu.memory_space<vmem>> -> memref<128xi32, #tpu.memory_space<vmem>>
    %dma_start3A_133 = arith.constant 0 : i32
    %dma_start3A_134 = arith.constant 0 : i32
    %dma_start3A_135 = tpu.memref_slice %arg2[%dma_start3A_133, %dma_start3A_134] : memref<1000000x64xf32, #tpu.memory_space<hbm>> -> memref<1000000x64xf32, #tpu.memory_space<hbm>>
    tpu.enqueue_indirect_dma source(%dma_start3A_135 : memref<1000000x64xf32, #tpu.memory_space<hbm>>) target(%arg7 : memref<128x64xf32, #tpu.memory_space<vmem>>) offsets(%dma_start3A_132 : memref<128xi32, #tpu.memory_space<vmem>>) semaphore(%arg9 : memref<!tpu.dma_semaphore, #tpu.memory_space<semaphore_mem>>)
    %add3A_136 = arith.constant 1280 : i32
    %add3A_137 = arith.addi %mul3A_2, %add3A_136 : i32
    "tpu.region"() ({
      %run_scoped3A = tpu.sem_alloc : memref<!tpu.dma_semaphore, #tpu.memory_space<semaphore_mem>>
      %dma_start3A_241 = arith.constant 0 : i32
      %dma_start3A_242 = tpu.memref_slice %arg4[%add3A_137, %dma_start3A_241] : memref<81920x64xf32, #tpu.memory_space<hbm>> -> memref<128x64xf32, #tpu.memory_space<hbm>>
      %dma_start3A_243 = arith.constant 0 : i32
      %dma_start3A_244 = tpu.memref_slice %arg4[%add3A_137, %dma_start3A_243] : memref<81920x64xf32, #tpu.memory_space<hbm>> -> memref<128x64xf32, #tpu.memory_space<hbm>>
      tpu.enqueue_dma source(%arg6 : memref<128x64xf32, #tpu.memory_space<vmem>>) target(%dma_start3A_244 : memref<128x64xf32, #tpu.memory_space<hbm>>) target_semaphore(%run_scoped3A : memref<!tpu.dma_semaphore, #tpu.memory_space<semaphore_mem>>)
      %dma_wait3A_245 = arith.constant 0 : i32
      %dma_wait3A_246 = tpu.memref_slice %arg4[%add3A_137, %dma_wait3A_245] : memref<81920x64xf32, #tpu.memory_space<hbm>> -> memref<128x64xf32, #tpu.memory_space<hbm>>
      %dma_wait3A_247 = arith.constant 0 : i32
      %dma_wait3A_248 = tpu.memref_slice %arg4[%add3A_137, %dma_wait3A_247] : memref<81920x64xf32, #tpu.memory_space<hbm>> -> memref<128x64xf32, #tpu.memory_space<hbm>>
      tpu.wait_dma2 semaphore(%run_scoped3A : memref<!tpu.dma_semaphore, #tpu.memory_space<semaphore_mem>>) src(%arg6 : memref<128x64xf32, #tpu.memory_space<vmem>>) dst(%dma_wait3A_248 : memref<128x64xf32, #tpu.memory_space<hbm>>)
      tpu.yield
    }) : () -> ()
    %dma_wait3A_138 = arith.constant 1408 : i32
    %dma_wait3A_139 = tpu.memref_slice %arg5[%dma_wait3A_138] : memref<2560xi32, #tpu.memory_space<vmem>> -> memref<128xi32, #tpu.memory_space<vmem>>
    %dma_wait3A_140 = arith.constant 0 : i32
    %dma_wait3A_141 = arith.constant 0 : i32
    %dma_wait3A_142 = tpu.memref_slice %arg2[%dma_wait3A_140, %dma_wait3A_141] : memref<1000000x64xf32, #tpu.memory_space<hbm>> -> memref<1000000x64xf32, #tpu.memory_space<hbm>>
    tpu.wait_indirect_dma semaphore(%arg9 : memref<!tpu.dma_semaphore, #tpu.memory_space<semaphore_mem>>) src(%dma_wait3A_142 : memref<1000000x64xf32, #tpu.memory_space<hbm>>) dst(%arg7 : memref<128x64xf32, #tpu.memory_space<vmem>>)
    %dma_start3A_143 = arith.constant 1536 : i32
    %dma_start3A_144 = tpu.memref_slice %arg5[%dma_start3A_143] : memref<2560xi32, #tpu.memory_space<vmem>> -> memref<128xi32, #tpu.memory_space<vmem>>
    %dma_start3A_145 = arith.constant 0 : i32
    %dma_start3A_146 = arith.constant 0 : i32
    %dma_start3A_147 = tpu.memref_slice %arg2[%dma_start3A_145, %dma_start3A_146] : memref<1000000x64xf32, #tpu.memory_space<hbm>> -> memref<1000000x64xf32, #tpu.memory_space<hbm>>
    tpu.enqueue_indirect_dma source(%dma_start3A_147 : memref<1000000x64xf32, #tpu.memory_space<hbm>>) target(%arg6 : memref<128x64xf32, #tpu.memory_space<vmem>>) offsets(%dma_start3A_144 : memref<128xi32, #tpu.memory_space<vmem>>) semaphore(%arg8 : memref<!tpu.dma_semaphore, #tpu.memory_space<semaphore_mem>>)
    %add3A_148 = arith.constant 1408 : i32
    %add3A_149 = arith.addi %mul3A_2, %add3A_148 : i32
    "tpu.region"() ({
      %run_scoped3A = tpu.sem_alloc : memref<!tpu.dma_semaphore, #tpu.memory_space<semaphore_mem>>
      %dma_start3A_241 = arith.constant 0 : i32
      %dma_start3A_242 = tpu.memref_slice %arg4[%add3A_149, %dma_start3A_241] : memref<81920x64xf32, #tpu.memory_space<hbm>> -> memref<128x64xf32, #tpu.memory_space<hbm>>
      %dma_start3A_243 = arith.constant 0 : i32
      %dma_start3A_244 = tpu.memref_slice %arg4[%add3A_149, %dma_start3A_243] : memref<81920x64xf32, #tpu.memory_space<hbm>> -> memref<128x64xf32, #tpu.memory_space<hbm>>
      tpu.enqueue_dma source(%arg7 : memref<128x64xf32, #tpu.memory_space<vmem>>) target(%dma_start3A_244 : memref<128x64xf32, #tpu.memory_space<hbm>>) target_semaphore(%run_scoped3A : memref<!tpu.dma_semaphore, #tpu.memory_space<semaphore_mem>>)
      %dma_wait3A_245 = arith.constant 0 : i32
      %dma_wait3A_246 = tpu.memref_slice %arg4[%add3A_149, %dma_wait3A_245] : memref<81920x64xf32, #tpu.memory_space<hbm>> -> memref<128x64xf32, #tpu.memory_space<hbm>>
      %dma_wait3A_247 = arith.constant 0 : i32
      %dma_wait3A_248 = tpu.memref_slice %arg4[%add3A_149, %dma_wait3A_247] : memref<81920x64xf32, #tpu.memory_space<hbm>> -> memref<128x64xf32, #tpu.memory_space<hbm>>
      tpu.wait_dma2 semaphore(%run_scoped3A : memref<!tpu.dma_semaphore, #tpu.memory_space<semaphore_mem>>) src(%arg7 : memref<128x64xf32, #tpu.memory_space<vmem>>) dst(%dma_wait3A_248 : memref<128x64xf32, #tpu.memory_space<hbm>>)
      tpu.yield
    }) : () -> ()
    %dma_wait3A_150 = arith.constant 1536 : i32
    %dma_wait3A_151 = tpu.memref_slice %arg5[%dma_wait3A_150] : memref<2560xi32, #tpu.memory_space<vmem>> -> memref<128xi32, #tpu.memory_space<vmem>>
    %dma_wait3A_152 = arith.constant 0 : i32
    %dma_wait3A_153 = arith.constant 0 : i32
    %dma_wait3A_154 = tpu.memref_slice %arg2[%dma_wait3A_152, %dma_wait3A_153] : memref<1000000x64xf32, #tpu.memory_space<hbm>> -> memref<1000000x64xf32, #tpu.memory_space<hbm>>
    tpu.wait_indirect_dma semaphore(%arg8 : memref<!tpu.dma_semaphore, #tpu.memory_space<semaphore_mem>>) src(%dma_wait3A_154 : memref<1000000x64xf32, #tpu.memory_space<hbm>>) dst(%arg6 : memref<128x64xf32, #tpu.memory_space<vmem>>)
    %dma_start3A_155 = arith.constant 1664 : i32
    %dma_start3A_156 = tpu.memref_slice %arg5[%dma_start3A_155] : memref<2560xi32, #tpu.memory_space<vmem>> -> memref<128xi32, #tpu.memory_space<vmem>>
    %dma_start3A_157 = arith.constant 0 : i32
    %dma_start3A_158 = arith.constant 0 : i32
    %dma_start3A_159 = tpu.memref_slice %arg2[%dma_start3A_157, %dma_start3A_158] : memref<1000000x64xf32, #tpu.memory_space<hbm>> -> memref<1000000x64xf32, #tpu.memory_space<hbm>>
    tpu.enqueue_indirect_dma source(%dma_start3A_159 : memref<1000000x64xf32, #tpu.memory_space<hbm>>) target(%arg7 : memref<128x64xf32, #tpu.memory_space<vmem>>) offsets(%dma_start3A_156 : memref<128xi32, #tpu.memory_space<vmem>>) semaphore(%arg9 : memref<!tpu.dma_semaphore, #tpu.memory_space<semaphore_mem>>)
    %add3A_160 = arith.constant 1536 : i32
    %add3A_161 = arith.addi %mul3A_2, %add3A_160 : i32
    "tpu.region"() ({
      %run_scoped3A = tpu.sem_alloc : memref<!tpu.dma_semaphore, #tpu.memory_space<semaphore_mem>>
      %dma_start3A_241 = arith.constant 0 : i32
      %dma_start3A_242 = tpu.memref_slice %arg4[%add3A_161, %dma_start3A_241] : memref<81920x64xf32, #tpu.memory_space<hbm>> -> memref<128x64xf32, #tpu.memory_space<hbm>>
      %dma_start3A_243 = arith.constant 0 : i32
      %dma_start3A_244 = tpu.memref_slice %arg4[%add3A_161, %dma_start3A_243] : memref<81920x64xf32, #tpu.memory_space<hbm>> -> memref<128x64xf32, #tpu.memory_space<hbm>>
      tpu.enqueue_dma source(%arg6 : memref<128x64xf32, #tpu.memory_space<vmem>>) target(%dma_start3A_244 : memref<128x64xf32, #tpu.memory_space<hbm>>) target_semaphore(%run_scoped3A : memref<!tpu.dma_semaphore, #tpu.memory_space<semaphore_mem>>)
      %dma_wait3A_245 = arith.constant 0 : i32
      %dma_wait3A_246 = tpu.memref_slice %arg4[%add3A_161, %dma_wait3A_245] : memref<81920x64xf32, #tpu.memory_space<hbm>> -> memref<128x64xf32, #tpu.memory_space<hbm>>
      %dma_wait3A_247 = arith.constant 0 : i32
      %dma_wait3A_248 = tpu.memref_slice %arg4[%add3A_161, %dma_wait3A_247] : memref<81920x64xf32, #tpu.memory_space<hbm>> -> memref<128x64xf32, #tpu.memory_space<hbm>>
      tpu.wait_dma2 semaphore(%run_scoped3A : memref<!tpu.dma_semaphore, #tpu.memory_space<semaphore_mem>>) src(%arg6 : memref<128x64xf32, #tpu.memory_space<vmem>>) dst(%dma_wait3A_248 : memref<128x64xf32, #tpu.memory_space<hbm>>)
      tpu.yield
    }) : () -> ()
    %dma_wait3A_162 = arith.constant 1664 : i32
    %dma_wait3A_163 = tpu.memref_slice %arg5[%dma_wait3A_162] : memref<2560xi32, #tpu.memory_space<vmem>> -> memref<128xi32, #tpu.memory_space<vmem>>
    %dma_wait3A_164 = arith.constant 0 : i32
    %dma_wait3A_165 = arith.constant 0 : i32
    %dma_wait3A_166 = tpu.memref_slice %arg2[%dma_wait3A_164, %dma_wait3A_165] : memref<1000000x64xf32, #tpu.memory_space<hbm>> -> memref<1000000x64xf32, #tpu.memory_space<hbm>>
    tpu.wait_indirect_dma semaphore(%arg9 : memref<!tpu.dma_semaphore, #tpu.memory_space<semaphore_mem>>) src(%dma_wait3A_166 : memref<1000000x64xf32, #tpu.memory_space<hbm>>) dst(%arg7 : memref<128x64xf32, #tpu.memory_space<vmem>>)
    %dma_start3A_167 = arith.constant 1792 : i32
    %dma_start3A_168 = tpu.memref_slice %arg5[%dma_start3A_167] : memref<2560xi32, #tpu.memory_space<vmem>> -> memref<128xi32, #tpu.memory_space<vmem>>
    %dma_start3A_169 = arith.constant 0 : i32
    %dma_start3A_170 = arith.constant 0 : i32
    %dma_start3A_171 = tpu.memref_slice %arg2[%dma_start3A_169, %dma_start3A_170] : memref<1000000x64xf32, #tpu.memory_space<hbm>> -> memref<1000000x64xf32, #tpu.memory_space<hbm>>
    tpu.enqueue_indirect_dma source(%dma_start3A_171 : memref<1000000x64xf32, #tpu.memory_space<hbm>>) target(%arg6 : memref<128x64xf32, #tpu.memory_space<vmem>>) offsets(%dma_start3A_168 : memref<128xi32, #tpu.memory_space<vmem>>) semaphore(%arg8 : memref<!tpu.dma_semaphore, #tpu.memory_space<semaphore_mem>>)
    %add3A_172 = arith.constant 1664 : i32
    %add3A_173 = arith.addi %mul3A_2, %add3A_172 : i32
    "tpu.region"() ({
      %run_scoped3A = tpu.sem_alloc : memref<!tpu.dma_semaphore, #tpu.memory_space<semaphore_mem>>
      %dma_start3A_241 = arith.constant 0 : i32
      %dma_start3A_242 = tpu.memref_slice %arg4[%add3A_173, %dma_start3A_241] : memref<81920x64xf32, #tpu.memory_space<hbm>> -> memref<128x64xf32, #tpu.memory_space<hbm>>
      %dma_start3A_243 = arith.constant 0 : i32
      %dma_start3A_244 = tpu.memref_slice %arg4[%add3A_173, %dma_start3A_243] : memref<81920x64xf32, #tpu.memory_space<hbm>> -> memref<128x64xf32, #tpu.memory_space<hbm>>
      tpu.enqueue_dma source(%arg7 : memref<128x64xf32, #tpu.memory_space<vmem>>) target(%dma_start3A_244 : memref<128x64xf32, #tpu.memory_space<hbm>>) target_semaphore(%run_scoped3A : memref<!tpu.dma_semaphore, #tpu.memory_space<semaphore_mem>>)
      %dma_wait3A_245 = arith.constant 0 : i32
      %dma_wait3A_246 = tpu.memref_slice %arg4[%add3A_173, %dma_wait3A_245] : memref<81920x64xf32, #tpu.memory_space<hbm>> -> memref<128x64xf32, #tpu.memory_space<hbm>>
      %dma_wait3A_247 = arith.constant 0 : i32
      %dma_wait3A_248 = tpu.memref_slice %arg4[%add3A_173, %dma_wait3A_247] : memref<81920x64xf32, #tpu.memory_space<hbm>> -> memref<128x64xf32, #tpu.memory_space<hbm>>
      tpu.wait_dma2 semaphore(%run_scoped3A : memref<!tpu.dma_semaphore, #tpu.memory_space<semaphore_mem>>) src(%arg7 : memref<128x64xf32, #tpu.memory_space<vmem>>) dst(%dma_wait3A_248 : memref<128x64xf32, #tpu.memory_space<hbm>>)
      tpu.yield
    }) : () -> ()
    %dma_wait3A_174 = arith.constant 1792 : i32
    %dma_wait3A_175 = tpu.memref_slice %arg5[%dma_wait3A_174] : memref<2560xi32, #tpu.memory_space<vmem>> -> memref<128xi32, #tpu.memory_space<vmem>>
    %dma_wait3A_176 = arith.constant 0 : i32
    %dma_wait3A_177 = arith.constant 0 : i32
    %dma_wait3A_178 = tpu.memref_slice %arg2[%dma_wait3A_176, %dma_wait3A_177] : memref<1000000x64xf32, #tpu.memory_space<hbm>> -> memref<1000000x64xf32, #tpu.memory_space<hbm>>
    tpu.wait_indirect_dma semaphore(%arg8 : memref<!tpu.dma_semaphore, #tpu.memory_space<semaphore_mem>>) src(%dma_wait3A_178 : memref<1000000x64xf32, #tpu.memory_space<hbm>>) dst(%arg6 : memref<128x64xf32, #tpu.memory_space<vmem>>)
    %dma_start3A_179 = arith.constant 1920 : i32
    %dma_start3A_180 = tpu.memref_slice %arg5[%dma_start3A_179] : memref<2560xi32, #tpu.memory_space<vmem>> -> memref<128xi32, #tpu.memory_space<vmem>>
    %dma_start3A_181 = arith.constant 0 : i32
    %dma_start3A_182 = arith.constant 0 : i32
    %dma_start3A_183 = tpu.memref_slice %arg2[%dma_start3A_181, %dma_start3A_182] : memref<1000000x64xf32, #tpu.memory_space<hbm>> -> memref<1000000x64xf32, #tpu.memory_space<hbm>>
    tpu.enqueue_indirect_dma source(%dma_start3A_183 : memref<1000000x64xf32, #tpu.memory_space<hbm>>) target(%arg7 : memref<128x64xf32, #tpu.memory_space<vmem>>) offsets(%dma_start3A_180 : memref<128xi32, #tpu.memory_space<vmem>>) semaphore(%arg9 : memref<!tpu.dma_semaphore, #tpu.memory_space<semaphore_mem>>)
    %add3A_184 = arith.constant 1792 : i32
    %add3A_185 = arith.addi %mul3A_2, %add3A_184 : i32
    "tpu.region"() ({
      %run_scoped3A = tpu.sem_alloc : memref<!tpu.dma_semaphore, #tpu.memory_space<semaphore_mem>>
      %dma_start3A_241 = arith.constant 0 : i32
      %dma_start3A_242 = tpu.memref_slice %arg4[%add3A_185, %dma_start3A_241] : memref<81920x64xf32, #tpu.memory_space<hbm>> -> memref<128x64xf32, #tpu.memory_space<hbm>>
      %dma_start3A_243 = arith.constant 0 : i32
      %dma_start3A_244 = tpu.memref_slice %arg4[%add3A_185, %dma_start3A_243] : memref<81920x64xf32, #tpu.memory_space<hbm>> -> memref<128x64xf32, #tpu.memory_space<hbm>>
      tpu.enqueue_dma source(%arg6 : memref<128x64xf32, #tpu.memory_space<vmem>>) target(%dma_start3A_244 : memref<128x64xf32, #tpu.memory_space<hbm>>) target_semaphore(%run_scoped3A : memref<!tpu.dma_semaphore, #tpu.memory_space<semaphore_mem>>)
      %dma_wait3A_245 = arith.constant 0 : i32
      %dma_wait3A_246 = tpu.memref_slice %arg4[%add3A_185, %dma_wait3A_245] : memref<81920x64xf32, #tpu.memory_space<hbm>> -> memref<128x64xf32, #tpu.memory_space<hbm>>
      %dma_wait3A_247 = arith.constant 0 : i32
      %dma_wait3A_248 = tpu.memref_slice %arg4[%add3A_185, %dma_wait3A_247] : memref<81920x64xf32, #tpu.memory_space<hbm>> -> memref<128x64xf32, #tpu.memory_space<hbm>>
      tpu.wait_dma2 semaphore(%run_scoped3A : memref<!tpu.dma_semaphore, #tpu.memory_space<semaphore_mem>>) src(%arg6 : memref<128x64xf32, #tpu.memory_space<vmem>>) dst(%dma_wait3A_248 : memref<128x64xf32, #tpu.memory_space<hbm>>)
      tpu.yield
    }) : () -> ()
    %dma_wait3A_186 = arith.constant 1920 : i32
    %dma_wait3A_187 = tpu.memref_slice %arg5[%dma_wait3A_186] : memref<2560xi32, #tpu.memory_space<vmem>> -> memref<128xi32, #tpu.memory_space<vmem>>
    %dma_wait3A_188 = arith.constant 0 : i32
    %dma_wait3A_189 = arith.constant 0 : i32
    %dma_wait3A_190 = tpu.memref_slice %arg2[%dma_wait3A_188, %dma_wait3A_189] : memref<1000000x64xf32, #tpu.memory_space<hbm>> -> memref<1000000x64xf32, #tpu.memory_space<hbm>>
    tpu.wait_indirect_dma semaphore(%arg9 : memref<!tpu.dma_semaphore, #tpu.memory_space<semaphore_mem>>) src(%dma_wait3A_190 : memref<1000000x64xf32, #tpu.memory_space<hbm>>) dst(%arg7 : memref<128x64xf32, #tpu.memory_space<vmem>>)
    %dma_start3A_191 = arith.constant 2048 : i32
    %dma_start3A_192 = tpu.memref_slice %arg5[%dma_start3A_191] : memref<2560xi32, #tpu.memory_space<vmem>> -> memref<128xi32, #tpu.memory_space<vmem>>
    %dma_start3A_193 = arith.constant 0 : i32
    %dma_start3A_194 = arith.constant 0 : i32
    %dma_start3A_195 = tpu.memref_slice %arg2[%dma_start3A_193, %dma_start3A_194] : memref<1000000x64xf32, #tpu.memory_space<hbm>> -> memref<1000000x64xf32, #tpu.memory_space<hbm>>
    tpu.enqueue_indirect_dma source(%dma_start3A_195 : memref<1000000x64xf32, #tpu.memory_space<hbm>>) target(%arg6 : memref<128x64xf32, #tpu.memory_space<vmem>>) offsets(%dma_start3A_192 : memref<128xi32, #tpu.memory_space<vmem>>) semaphore(%arg8 : memref<!tpu.dma_semaphore, #tpu.memory_space<semaphore_mem>>)
    %add3A_196 = arith.constant 1920 : i32
    %add3A_197 = arith.addi %mul3A_2, %add3A_196 : i32
    "tpu.region"() ({
      %run_scoped3A = tpu.sem_alloc : memref<!tpu.dma_semaphore, #tpu.memory_space<semaphore_mem>>
      %dma_start3A_241 = arith.constant 0 : i32
      %dma_start3A_242 = tpu.memref_slice %arg4[%add3A_197, %dma_start3A_241] : memref<81920x64xf32, #tpu.memory_space<hbm>> -> memref<128x64xf32, #tpu.memory_space<hbm>>
      %dma_start3A_243 = arith.constant 0 : i32
      %dma_start3A_244 = tpu.memref_slice %arg4[%add3A_197, %dma_start3A_243] : memref<81920x64xf32, #tpu.memory_space<hbm>> -> memref<128x64xf32, #tpu.memory_space<hbm>>
      tpu.enqueue_dma source(%arg7 : memref<128x64xf32, #tpu.memory_space<vmem>>) target(%dma_start3A_244 : memref<128x64xf32, #tpu.memory_space<hbm>>) target_semaphore(%run_scoped3A : memref<!tpu.dma_semaphore, #tpu.memory_space<semaphore_mem>>)
      %dma_wait3A_245 = arith.constant 0 : i32
      %dma_wait3A_246 = tpu.memref_slice %arg4[%add3A_197, %dma_wait3A_245] : memref<81920x64xf32, #tpu.memory_space<hbm>> -> memref<128x64xf32, #tpu.memory_space<hbm>>
      %dma_wait3A_247 = arith.constant 0 : i32
      %dma_wait3A_248 = tpu.memref_slice %arg4[%add3A_197, %dma_wait3A_247] : memref<81920x64xf32, #tpu.memory_space<hbm>> -> memref<128x64xf32, #tpu.memory_space<hbm>>
      tpu.wait_dma2 semaphore(%run_scoped3A : memref<!tpu.dma_semaphore, #tpu.memory_space<semaphore_mem>>) src(%arg7 : memref<128x64xf32, #tpu.memory_space<vmem>>) dst(%dma_wait3A_248 : memref<128x64xf32, #tpu.memory_space<hbm>>)
      tpu.yield
    }) : () -> ()
    %dma_wait3A_198 = arith.constant 2048 : i32
    %dma_wait3A_199 = tpu.memref_slice %arg5[%dma_wait3A_198] : memref<2560xi32, #tpu.memory_space<vmem>> -> memref<128xi32, #tpu.memory_space<vmem>>
    %dma_wait3A_200 = arith.constant 0 : i32
    %dma_wait3A_201 = arith.constant 0 : i32
    %dma_wait3A_202 = tpu.memref_slice %arg2[%dma_wait3A_200, %dma_wait3A_201] : memref<1000000x64xf32, #tpu.memory_space<hbm>> -> memref<1000000x64xf32, #tpu.memory_space<hbm>>
    tpu.wait_indirect_dma semaphore(%arg8 : memref<!tpu.dma_semaphore, #tpu.memory_space<semaphore_mem>>) src(%dma_wait3A_202 : memref<1000000x64xf32, #tpu.memory_space<hbm>>) dst(%arg6 : memref<128x64xf32, #tpu.memory_space<vmem>>)
    %dma_start3A_203 = arith.constant 2176 : i32
    %dma_start3A_204 = tpu.memref_slice %arg5[%dma_start3A_203] : memref<2560xi32, #tpu.memory_space<vmem>> -> memref<128xi32, #tpu.memory_space<vmem>>
    %dma_start3A_205 = arith.constant 0 : i32
    %dma_start3A_206 = arith.constant 0 : i32
    %dma_start3A_207 = tpu.memref_slice %arg2[%dma_start3A_205, %dma_start3A_206] : memref<1000000x64xf32, #tpu.memory_space<hbm>> -> memref<1000000x64xf32, #tpu.memory_space<hbm>>
    tpu.enqueue_indirect_dma source(%dma_start3A_207 : memref<1000000x64xf32, #tpu.memory_space<hbm>>) target(%arg7 : memref<128x64xf32, #tpu.memory_space<vmem>>) offsets(%dma_start3A_204 : memref<128xi32, #tpu.memory_space<vmem>>) semaphore(%arg9 : memref<!tpu.dma_semaphore, #tpu.memory_space<semaphore_mem>>)
    %add3A_208 = arith.constant 2048 : i32
    %add3A_209 = arith.addi %mul3A_2, %add3A_208 : i32
    "tpu.region"() ({
      %run_scoped3A = tpu.sem_alloc : memref<!tpu.dma_semaphore, #tpu.memory_space<semaphore_mem>>
      %dma_start3A_241 = arith.constant 0 : i32
      %dma_start3A_242 = tpu.memref_slice %arg4[%add3A_209, %dma_start3A_241] : memref<81920x64xf32, #tpu.memory_space<hbm>> -> memref<128x64xf32, #tpu.memory_space<hbm>>
      %dma_start3A_243 = arith.constant 0 : i32
      %dma_start3A_244 = tpu.memref_slice %arg4[%add3A_209, %dma_start3A_243] : memref<81920x64xf32, #tpu.memory_space<hbm>> -> memref<128x64xf32, #tpu.memory_space<hbm>>
      tpu.enqueue_dma source(%arg6 : memref<128x64xf32, #tpu.memory_space<vmem>>) target(%dma_start3A_244 : memref<128x64xf32, #tpu.memory_space<hbm>>) target_semaphore(%run_scoped3A : memref<!tpu.dma_semaphore, #tpu.memory_space<semaphore_mem>>)
      %dma_wait3A_245 = arith.constant 0 : i32
      %dma_wait3A_246 = tpu.memref_slice %arg4[%add3A_209, %dma_wait3A_245] : memref<81920x64xf32, #tpu.memory_space<hbm>> -> memref<128x64xf32, #tpu.memory_space<hbm>>
      %dma_wait3A_247 = arith.constant 0 : i32
      %dma_wait3A_248 = tpu.memref_slice %arg4[%add3A_209, %dma_wait3A_247] : memref<81920x64xf32, #tpu.memory_space<hbm>> -> memref<128x64xf32, #tpu.memory_space<hbm>>
      tpu.wait_dma2 semaphore(%run_scoped3A : memref<!tpu.dma_semaphore, #tpu.memory_space<semaphore_mem>>) src(%arg6 : memref<128x64xf32, #tpu.memory_space<vmem>>) dst(%dma_wait3A_248 : memref<128x64xf32, #tpu.memory_space<hbm>>)
      tpu.yield
    }) : () -> ()
    %dma_wait3A_210 = arith.constant 2176 : i32
    %dma_wait3A_211 = tpu.memref_slice %arg5[%dma_wait3A_210] : memref<2560xi32, #tpu.memory_space<vmem>> -> memref<128xi32, #tpu.memory_space<vmem>>
    %dma_wait3A_212 = arith.constant 0 : i32
    %dma_wait3A_213 = arith.constant 0 : i32
    %dma_wait3A_214 = tpu.memref_slice %arg2[%dma_wait3A_212, %dma_wait3A_213] : memref<1000000x64xf32, #tpu.memory_space<hbm>> -> memref<1000000x64xf32, #tpu.memory_space<hbm>>
    tpu.wait_indirect_dma semaphore(%arg9 : memref<!tpu.dma_semaphore, #tpu.memory_space<semaphore_mem>>) src(%dma_wait3A_214 : memref<1000000x64xf32, #tpu.memory_space<hbm>>) dst(%arg7 : memref<128x64xf32, #tpu.memory_space<vmem>>)
    %dma_start3A_215 = arith.constant 2304 : i32
    %dma_start3A_216 = tpu.memref_slice %arg5[%dma_start3A_215] : memref<2560xi32, #tpu.memory_space<vmem>> -> memref<128xi32, #tpu.memory_space<vmem>>
    %dma_start3A_217 = arith.constant 0 : i32
    %dma_start3A_218 = arith.constant 0 : i32
    %dma_start3A_219 = tpu.memref_slice %arg2[%dma_start3A_217, %dma_start3A_218] : memref<1000000x64xf32, #tpu.memory_space<hbm>> -> memref<1000000x64xf32, #tpu.memory_space<hbm>>
    tpu.enqueue_indirect_dma source(%dma_start3A_219 : memref<1000000x64xf32, #tpu.memory_space<hbm>>) target(%arg6 : memref<128x64xf32, #tpu.memory_space<vmem>>) offsets(%dma_start3A_216 : memref<128xi32, #tpu.memory_space<vmem>>) semaphore(%arg8 : memref<!tpu.dma_semaphore, #tpu.memory_space<semaphore_mem>>)
    %add3A_220 = arith.constant 2176 : i32
    %add3A_221 = arith.addi %mul3A_2, %add3A_220 : i32
    "tpu.region"() ({
      %run_scoped3A = tpu.sem_alloc : memref<!tpu.dma_semaphore, #tpu.memory_space<semaphore_mem>>
      %dma_start3A_241 = arith.constant 0 : i32
      %dma_start3A_242 = tpu.memref_slice %arg4[%add3A_221, %dma_start3A_241] : memref<81920x64xf32, #tpu.memory_space<hbm>> -> memref<128x64xf32, #tpu.memory_space<hbm>>
      %dma_start3A_243 = arith.constant 0 : i32
      %dma_start3A_244 = tpu.memref_slice %arg4[%add3A_221, %dma_start3A_243] : memref<81920x64xf32, #tpu.memory_space<hbm>> -> memref<128x64xf32, #tpu.memory_space<hbm>>
      tpu.enqueue_dma source(%arg7 : memref<128x64xf32, #tpu.memory_space<vmem>>) target(%dma_start3A_244 : memref<128x64xf32, #tpu.memory_space<hbm>>) target_semaphore(%run_scoped3A : memref<!tpu.dma_semaphore, #tpu.memory_space<semaphore_mem>>)
      %dma_wait3A_245 = arith.constant 0 : i32
      %dma_wait3A_246 = tpu.memref_slice %arg4[%add3A_221, %dma_wait3A_245] : memref<81920x64xf32, #tpu.memory_space<hbm>> -> memref<128x64xf32, #tpu.memory_space<hbm>>
      %dma_wait3A_247 = arith.constant 0 : i32
      %dma_wait3A_248 = tpu.memref_slice %arg4[%add3A_221, %dma_wait3A_247] : memref<81920x64xf32, #tpu.memory_space<hbm>> -> memref<128x64xf32, #tpu.memory_space<hbm>>
      tpu.wait_dma2 semaphore(%run_scoped3A : memref<!tpu.dma_semaphore, #tpu.memory_space<semaphore_mem>>) src(%arg7 : memref<128x64xf32, #tpu.memory_space<vmem>>) dst(%dma_wait3A_248 : memref<128x64xf32, #tpu.memory_space<hbm>>)
      tpu.yield
    }) : () -> ()
    %dma_wait3A_222 = arith.constant 2304 : i32
    %dma_wait3A_223 = tpu.memref_slice %arg5[%dma_wait3A_222] : memref<2560xi32, #tpu.memory_space<vmem>> -> memref<128xi32, #tpu.memory_space<vmem>>
    %dma_wait3A_224 = arith.constant 0 : i32
    %dma_wait3A_225 = arith.constant 0 : i32
    %dma_wait3A_226 = tpu.memref_slice %arg2[%dma_wait3A_224, %dma_wait3A_225] : memref<1000000x64xf32, #tpu.memory_space<hbm>> -> memref<1000000x64xf32, #tpu.memory_space<hbm>>
    tpu.wait_indirect_dma semaphore(%arg8 : memref<!tpu.dma_semaphore, #tpu.memory_space<semaphore_mem>>) src(%dma_wait3A_226 : memref<1000000x64xf32, #tpu.memory_space<hbm>>) dst(%arg6 : memref<128x64xf32, #tpu.memory_space<vmem>>)
    %dma_start3A_227 = arith.constant 2432 : i32
    %dma_start3A_228 = tpu.memref_slice %arg5[%dma_start3A_227] : memref<2560xi32, #tpu.memory_space<vmem>> -> memref<128xi32, #tpu.memory_space<vmem>>
    %dma_start3A_229 = arith.constant 0 : i32
    %dma_start3A_230 = arith.constant 0 : i32
    %dma_start3A_231 = tpu.memref_slice %arg2[%dma_start3A_229, %dma_start3A_230] : memref<1000000x64xf32, #tpu.memory_space<hbm>> -> memref<1000000x64xf32, #tpu.memory_space<hbm>>
    tpu.enqueue_indirect_dma source(%dma_start3A_231 : memref<1000000x64xf32, #tpu.memory_space<hbm>>) target(%arg7 : memref<128x64xf32, #tpu.memory_space<vmem>>) offsets(%dma_start3A_228 : memref<128xi32, #tpu.memory_space<vmem>>) semaphore(%arg9 : memref<!tpu.dma_semaphore, #tpu.memory_space<semaphore_mem>>)
    %add3A_232 = arith.constant 2304 : i32
    %add3A_233 = arith.addi %mul3A_2, %add3A_232 : i32
    "tpu.region"() ({
      %run_scoped3A = tpu.sem_alloc : memref<!tpu.dma_semaphore, #tpu.memory_space<semaphore_mem>>
      %dma_start3A_241 = arith.constant 0 : i32
      %dma_start3A_242 = tpu.memref_slice %arg4[%add3A_233, %dma_start3A_241] : memref<81920x64xf32, #tpu.memory_space<hbm>> -> memref<128x64xf32, #tpu.memory_space<hbm>>
      %dma_start3A_243 = arith.constant 0 : i32
      %dma_start3A_244 = tpu.memref_slice %arg4[%add3A_233, %dma_start3A_243] : memref<81920x64xf32, #tpu.memory_space<hbm>> -> memref<128x64xf32, #tpu.memory_space<hbm>>
      tpu.enqueue_dma source(%arg6 : memref<128x64xf32, #tpu.memory_space<vmem>>) target(%dma_start3A_244 : memref<128x64xf32, #tpu.memory_space<hbm>>) target_semaphore(%run_scoped3A : memref<!tpu.dma_semaphore, #tpu.memory_space<semaphore_mem>>)
      %dma_wait3A_245 = arith.constant 0 : i32
      %dma_wait3A_246 = tpu.memref_slice %arg4[%add3A_233, %dma_wait3A_245] : memref<81920x64xf32, #tpu.memory_space<hbm>> -> memref<128x64xf32, #tpu.memory_space<hbm>>
      %dma_wait3A_247 = arith.constant 0 : i32
      %dma_wait3A_248 = tpu.memref_slice %arg4[%add3A_233, %dma_wait3A_247] : memref<81920x64xf32, #tpu.memory_space<hbm>> -> memref<128x64xf32, #tpu.memory_space<hbm>>
      tpu.wait_dma2 semaphore(%run_scoped3A : memref<!tpu.dma_semaphore, #tpu.memory_space<semaphore_mem>>) src(%arg6 : memref<128x64xf32, #tpu.memory_space<vmem>>) dst(%dma_wait3A_248 : memref<128x64xf32, #tpu.memory_space<hbm>>)
      tpu.yield
    }) : () -> ()
    %dma_wait3A_234 = arith.constant 2432 : i32
    %dma_wait3A_235 = tpu.memref_slice %arg5[%dma_wait3A_234] : memref<2560xi32, #tpu.memory_space<vmem>> -> memref<128xi32, #tpu.memory_space<vmem>>
    %dma_wait3A_236 = arith.constant 0 : i32
    %dma_wait3A_237 = arith.constant 0 : i32
    %dma_wait3A_238 = tpu.memref_slice %arg2[%dma_wait3A_236, %dma_wait3A_237] : memref<1000000x64xf32, #tpu.memory_space<hbm>> -> memref<1000000x64xf32, #tpu.memory_space<hbm>>
    tpu.wait_indirect_dma semaphore(%arg9 : memref<!tpu.dma_semaphore, #tpu.memory_space<semaphore_mem>>) src(%dma_wait3A_238 : memref<1000000x64xf32, #tpu.memory_space<hbm>>) dst(%arg7 : memref<128x64xf32, #tpu.memory_space<vmem>>)
    %add3A_239 = arith.constant 2432 : i32
    %add3A_240 = arith.addi %mul3A_2, %add3A_239 : i32
    "tpu.region"() ({
      %run_scoped3A = tpu.sem_alloc : memref<!tpu.dma_semaphore, #tpu.memory_space<semaphore_mem>>
      %dma_start3A_241 = arith.constant 0 : i32
      %dma_start3A_242 = tpu.memref_slice %arg4[%add3A_240, %dma_start3A_241] : memref<81920x64xf32, #tpu.memory_space<hbm>> -> memref<128x64xf32, #tpu.memory_space<hbm>>
      %dma_start3A_243 = arith.constant 0 : i32
      %dma_start3A_244 = tpu.memref_slice %arg4[%add3A_240, %dma_start3A_243] : memref<81920x64xf32, #tpu.memory_space<hbm>> -> memref<128x64xf32, #tpu.memory_space<hbm>>
      tpu.enqueue_dma source(%arg7 : memref<128x64xf32, #tpu.memory_space<vmem>>) target(%dma_start3A_244 : memref<128x64xf32, #tpu.memory_space<hbm>>) target_semaphore(%run_scoped3A : memref<!tpu.dma_semaphore, #tpu.memory_space<semaphore_mem>>)
      %dma_wait3A_245 = arith.constant 0 : i32
      %dma_wait3A_246 = tpu.memref_slice %arg4[%add3A_240, %dma_wait3A_245] : memref<81920x64xf32, #tpu.memory_space<hbm>> -> memref<128x64xf32, #tpu.memory_space<hbm>>
      %dma_wait3A_247 = arith.constant 0 : i32
      %dma_wait3A_248 = tpu.memref_slice %arg4[%add3A_240, %dma_wait3A_247] : memref<81920x64xf32, #tpu.memory_space<hbm>> -> memref<128x64xf32, #tpu.memory_space<hbm>>
      tpu.wait_dma2 semaphore(%run_scoped3A : memref<!tpu.dma_semaphore, #tpu.memory_space<semaphore_mem>>) src(%arg7 : memref<128x64xf32, #tpu.memory_space<vmem>>) dst(%dma_wait3A_248 : memref<128x64xf32, #tpu.memory_space<hbm>>)
      tpu.yield
    }) : () -> ()
    return
  }
}

</mosaic_0001>

<sc_bundles>
// kernel: kernel.3.cloned.1.call-start
scs
__scs_entry_jumppad:
0x0: {  	(pc) =	sbr.rel $0x88, $3  }
0x1: {  	(tag) =	ssettag $0x0;
	lr =	simm.s32 $0x1  }
0x2: {  	[smem:$0x3F9F] =	sst lr;
	_ =	strace $0xD0000000  }
0x3: {  	_ = 	snop  }
0x4: {  	_ = 	snop  }
0x5: {  	_ = 	snop  }
0x6: {  	_ = 	snop  }
0x7: {  	_ = 	snop  }
__scs_overlays_trampoline_lowered:
0x8: {  	[smem:$0x3FAE] =	sst s0  }
0x9: {  	[smem:$0x3FAF] =	sst s1  }
0xa: {  	[smem:$0x3FB0] =	sst s2  }
0xb: {  	[smem:$0x3FB1] =	sst s3  }
0xc: {  	[smem:$0x3FB2] =	sst s4  }
0xd: {  	[smem:$0x3FB3] =	sst s5  }
0xe: {  	[smem:$0x3FB4] =	sst s6  }
0xf: {  	[smem:$0x3FB5] =	sst s7  }
0x10: {  	[smem:$0x3FB6] =	sst s8  }
0x11: {  	[smem:$0x3FB7] =	sst s9;
	s0 =	simm.s32 @!p0 $0x0  }
0x12: {  	s1 =	sld [smem:$0x3F9D];
	s0 =	simm.s32 @p0 $0x1  }
0x13: {  	[smem:$0x3FB8] =	sst s0;
	s0 =	simm.s32 @!p1 $0x0  }
0x14: {  	s2 =	sld [smem:$0x3F9C];
	s0 =	simm.s32 @p1 $0x1  }
0x15: {  	[smem:$0x3FB9] =	sst s0;
	s0 =	simm.s32 @!p2 $0x0  }
0x16: {  	s3 =	sld [smem:$0x3FDB];
	s0 =	simm.s32 @p2 $0x1  }
0x17: {  	s4 =	simm.s32 $0x1BF5;
	[smem:$0x3FBB] =	sst s0  }
0x18: {  	s0 =	sld [smem:$0x3F9E];
	_ =	swait.ge [sflag:s4], $0x0  }
0x19: {  	s7 =	sld [smem:$0x3F9F]  }
0x1a: {  	s8 =	sadd.s32 $0xFFFFE003, lr  }
0x1b: {  	s9 =	sadd.s32 $0xFFFFFEF7, lr;
	s5 =	simm.s32 $0xFFFFFFFF;
	p2 =	slt.u32 s8, $0xFFFFF086  }
0x1c: {  	p1 =	slt.u32 s9, $0xF7A;
	s5 =	simm.s32 @!p2 $0x0  }
0x1d: {  	s5 =	simm.s32 @p1 $0x1;
	p0 =	seq.s32 s7, s2  }
0x1e: {  	s7 =	smul.u32 @!p0 $0xF7A, s2;
	p2 =	seq.s32 @!p0 s5, $0x0  }
0x1f: {  	s9 =	smul.u32 $0xF7A, s1;
	s8 =	simm.s32 @!p0 $0x1BF5;
	p2 =	por !p2, p0  }
0x20: {  	[sflag:s8] =	ssyncset.s32 @!p0 $0xFFFFF086;
	s6 =	sadd.s32 @!p0 s3, s7;
	s7 =	simm.s32 @!p0 $0x108  }
0x21: {  	s3 =	sadd.s32 s3, s9;
	s6 =	sadd.s32 @!p0 $0x88, s6;
	s7 =	simm.s32 @p2 $0x1082  }
0x22: {  	[simem:s7], [sflag:s8] =	dma.local @!p0 [hbm:s6], $0xF7A  }
0x23: {  	s9 =	sor.u32 $0xD0000000, s2;
	s6 =	simm.s32 $0x108;
	_ =	swait.ge @!p0 [sflag:s8], $0x0  }
0x24: {  	s3 =	sadd.s32 $0x88, s3;
	s6 =	simm.s32 @!p1 $0x1082;
	[sflag:s4] =	ssyncset.s32 $0xFFFFF086  }
0x25: {  	[simem:s6], [sflag:s4] =	dma.local [hbm:s3], $0xF7A  }
0x26: {  	[smem:$0x3F9F] =	sst s1;
	(tag) =	ssettag s2;
	_ =	strace s9  }
0x27: {  	s1 =	sld [smem:$0x3FAF]  }
0x28: {  	s2 =	sld [smem:$0x3FB0]  }
0x29: {  	s4 =	sld [smem:$0x3FB2]  }
0x2a: {  	p0 =	seq.s32 s5, $0x0;
	s5 =	sld [smem:$0x3FB3]  }
0x2b: {  	s6 =	sld [smem:$0x3FB4]  }
0x2c: {  	s7 =	sld [smem:$0x3FB5]  }
0x2d: {  	s3 =	simm.s32 $0x108;
	s8 =	sld [smem:$0x3FB6]  }
0x2e: {  	s3 =	simm.s32 @!p0 $0x1082;
	s9 =	sld [smem:$0x3FB7]  }
0x2f: {  	lr =	sadd.s32 s0, s3;
	s0 =	sld [smem:$0x3FAE]  }
0x30: {  	s3 =	sld [smem:$0x3FB1]  }
0x31: {  	[smem:$0x3FBA] =	sst s10  }
0x32: {  	s10 =	sld [smem:$0x3FB8];
	_ =	sdelay $0x3  }
0x33: {  	p0 =	seq.s32 s10, $0x1;
	s10 =	sld [smem:$0x3FBA];
	_ =	sdelay $0x3  }
0x34: {  	[smem:$0x3FBA] =	sst s10  }
0x35: {  	s10 =	sld [smem:$0x3FB9];
	_ =	sdelay $0x3  }
0x36: {  	p1 =	seq.s32 s10, $0x1;
	s10 =	sld [smem:$0x3FBA];
	_ =	sdelay $0x3  }
0x37: {  	[smem:$0x3FBA] =	sst s10  }
0x38: {  	s10 =	sld [smem:$0x3FBB]  }
0x39: {  	_ = 	snop;
	(pc) =	sbr.ind lr, $3  }
0x3a: {  	_ = 	snop  }
0x3b: {  	_ = 	snop  }
0x3c: {  	p2 =	seq.s32 s10, $0x1;
	s10 =	sld [smem:$0x3FBA]  }
0x3d: {  	_ =	shalt  }
0x3e: {  	_ =	shalt  }
0x3f: {  	_ =	shalt  }
0x40: {  	_ =	shalt  }
0x41: {  	_ =	shalt  }
0x42: {  	_ =	shalt  }
0x43: {  	_ =	shalt  }
0x44: {  	_ =	shalt  }
0x45: {  	_ =	shalt  }
0x46: {  	_ =	shalt  }
0x47: {  	_ =	shalt  }
0x48: {  	_ =	shalt  }
0x49: {  	_ =	shalt  }
0x4a: {  	_ =	shalt  }
0x4b: {  	_ =	shalt  }
0x4c: {  	_ =	shalt  }
0x4d: {  	_ =	shalt  }
0x4e: {  	_ =	shalt  }
0x4f: {  	_ =	shalt  }
0x50: {  	_ =	shalt  }
0x51: {  	_ =	shalt  }
0x52: {  	_ =	shalt  }
0x53: {  	_ =	shalt  }
0x54: {  	_ =	shalt  }
0x55: {  	_ =	shalt  }
0x56: {  	_ =	shalt  }
0x57: {  	_ =	shalt  }
0x58: {  	_ =	shalt  }
0x59: {  	_ =	shalt  }
0x5a: {  	_ =	shalt  }
0x5b: {  	_ =	shalt  }
0x5c: {  	_ =	shalt  }
0x5d: {  	_ =	shalt  }
0x5e: {  	_ =	shalt  }
0x5f: {  	_ =	shalt  }
0x60: {  	_ =	shalt  }
0x61: {  	_ =	shalt  }
0x62: {  	_ =	shalt  }
0x63: {  	_ =	shalt  }
0x64: {  	_ =	shalt  }
0x65: {  	_ =	shalt  }
0x66: {  	_ =	shalt  }
0x67: {  	_ =	shalt  }
0x68: {  	_ =	shalt  }
0x69: {  	_ =	shalt  }
0x6a: {  	_ =	shalt  }
0x6b: {  	_ =	shalt  }
0x6c: {  	_ =	shalt  }
0x6d: {  	_ =	shalt  }
0x6e: {  	_ =	shalt  }
0x6f: {  	_ =	shalt  }
0x70: {  	_ =	shalt  }
0x71: {  	_ =	shalt  }
0x72: {  	_ =	shalt  }
0x73: {  	_ =	shalt  }
0x74: {  	_ =	shalt  }
0x75: {  	_ =	shalt  }
0x76: {  	_ =	shalt  }
0x77: {  	_ =	shalt  }
0x78: {  	_ =	shalt  }
0x79: {  	_ =	shalt  }
0x7a: {  	_ =	shalt  }
0x7b: {  	_ =	shalt  }
0x7c: {  	_ =	shalt  }
0x7d: {  	_ =	shalt  }
0x7e: {  	_ =	shalt  }
0x7f: {  	_ =	shalt  }
0x80: {  	_ =	shalt  }
0x81: {  	_ =	shalt  }
0x82: {  	_ =	shalt  }
0x83: {  	_ =	shalt  }
0x84: {  	_ =	shalt  }
0x85: {  	_ =	shalt  }
0x86: {  	_ =	shalt  }
0x87: {  	_ =	shalt  }
.Lfunc_end0:
.L_simem_size_0:
called_computation_lowered:
.L_overlay_start_0:
0x88: {  	s2 =	sld [smem:$0x3FD9]  }
0x89: {  	s3 =	sld [smem:$0x3FFE];
	_ =	sdelay $0x1  }
0x8a: {  	s1 =	srdreg.scid  }
0x8b: {  	s0 =	sand.u32 $0x1, s1  }
0x8c: {  	s17 =	sshll.u32 s0, $0xA;
	s2 =	sadd.s32 s3, s2  }
0x8d: {  	s2 =	sadd.s32 s2, s17  }
0x8e: {  	[smem:$0x3FC6] =	sst s2  }
0x8f: {  	_ = 	snop  }
0x90: {  	s2 =	sld [smem:$0x3FD0];
	(tm) =	ssettm $0x1  }
0x91: {  	s18 =	sld [smem:$0x3FFB];
	_ =	sdelay $0x3  }
0x92: {  	_ =	strace s18  }
0x93: {  	s3 =	sld [smem:$0x3FFC];
	_ =	sdelay $0x3  }
0x94: {  	_ =	strace s3  }
0x95: {  	s3 =	sld [smem:$0x3FFD];
	_ =	sdelay $0x3  }
0x96: {  	_ =	strace s3  }
0x97: {  	_ =	strace $0x8FFFFFFF  }
0x98: {  	s19 =	sld [smem:$0x3FDB];
	_ =	sdelay $0x1  }
0x99: {  	s4 =	simm.s32 $_scs_section_size  }
0x9a: {  	s5 =	simm.s32 $_size__tile_overlayer_lowered;
	s6 =	simm.s32 $_tile_overlayer_lowered  }
0x9b: {  	s22 =	simm.s32 $0x1BFF;
	s21 =	sshll.u32 s6, $0x1;
	s3 =	sadd.s32 s4, s19  }
0x9c: {  	s7 =	simm.s32 $0x0;
	s20 =	sshll.u32 s5, $0x1;
	s5 =	sadd.s32 s21, s3  }
0x9d: {  	[timem:s7], [sflag:s22] =	dma.local [hbm:s5], s20  }
0x9e: {  	_ =	swait.ge [sflag:s22], s20  }
0x9f: {  	s4 =	ssub.s32 $0x0, s20;
	[sflag:s22] =	ssyncset.done $0x0  }
0xa0: {  	[sflag:s22] =	ssyncadd.s32 s4;
	_ =	sdelay $0x1  }
0xa1: {  	s23 =	simm.s32 $0x1B8B  }
0xa2: {  	_ =	swait.ge [sflag:s23], $0x1  }
0xa3: {  	[sflag:s23] =	ssyncset.done $0x0  }
0xa4: {  	s25 =	simm.s32 $0x1B8E;
	s24 =	sld [smem:$0x3FFE];
	[sflag:s23] =	ssyncadd.s32 $0xFFFFFFFF  }
0xa5: {  	s26 =	simm.s32 $execute0_lowered;
	[smem:$0x3FD2] =	sst s25  }
0xa6: {  	s5 =	sshll.u32 s26, $0x1;
	_ =	strace $0x80000046;
	[dreg:$0x1] =	wrdreg $0xFFFFFFFF  }
0xa7: {  	s28 =	simm.s32 $_size_execute0_lowered;
	s3 =	sadd.s32 s3, s5;
	[dreg:$0x0] =	wrdreg $0x0  }
0xa8: {  	s5 =	sshll.u32 s28, $0x1;
	[dreg:$0x2] =	wrdreg s3  }
0xa9: {  	[dreg:$0x3] =	wrdreg s5  }
0xaa: {  	[dreg:$0x4] =	wrdreg $0xC0  }
0xab: {  	_ =	task [dreg:s7], $0x5FFFF  }
0xac: {  	[dreg:$0x1] =	wrdreg $0xFFFFFFFF  }
0xad: {  	[dreg:$0x0] =	wrdreg $0x60  }
0xae: {  	[dreg:$0x2] =	wrdreg s24  }
0xaf: {  	[dreg:$0x3] =	wrdreg s2  }
0xb0: {  	[dreg:$0x4] =	wrdreg $0x9  }
0xb1: {  	_ =	task.clear_ibuf [dreg:s7], $0x5FFFF;
	_ =	strace $0x90000046  }
0xb2: {  	s29 =	simm.s32 $0x9;
	_ =	strace $0x80000048  }
0xb3: {  	_ =	swait.ge [sflag:s29], $0x1  }
0xb4: {  	[sflag:s29] =	ssyncadd.s32 $0xFFFFFFFF  }
0xb5: {  	_ =	strace $0x90000048  }
0xb6: {  	_ =	sfence  }
0xb7: {  	s30 =	sld [smem:$0x0];
	_ =	sdelay $0x2  }
0xb8: {  	s31 =	sshll.u32 s1, $0xD;
	s1 =	sshrl.u32 s1, $0x2  }
0xb9: {  	s3 =	sand.u32 $0x4000, s31;
	s1 =	sadd.s32 s1, s30  }
0xba: {  	s0 =	sor.u32 s3, s0;
	s1 =	sshll.u32 s1, $0x11  }
0xbb: {  	s0 =	sor.u32 s1, s0  }
0xbc: {  	s0 =	sadd.s32 $0x8F2B, s0  }
0xbd: {  	[sflag:s0] =	ssyncadd.remote.s32 $0x1  }
0xbe: {  	_ =	sfence.sel $0xFFFF  }
0xbf: {  	[dreg:$0x0] =	wrdreg $0xFFFFFFFF;
	(pc) =	sbr.abs _section_cstart, $3  }
0xc0: {  	[dreg:$0x1] =	wrdreg $0xFFFFFFFF  }
0xc1: {  	_ =	task.clear_ibuf [dreg:s7], $0x2FFFF;
	_ =	strace $0x9FFFFFFF  }
0xc2: {  	(tm) =	ssettm $0x7FFFFFFF  }
0xc3: {  	_ =	shalt  }
tec
execute0_lowered:
.L_overlay_start_1:
0x0: {  	(tag) =	ssettag $0x1  }
0x1: {  	s0 =	srdreg.scid;
	s2 =	stileid.u32  }
0x2: {  	s1 =	rddreg [dreg:$0x0];
	s0 =	sand.u32 $0x1, s0;
	s2 =	sshll.u32 s2, $0x1  }
0x3: {  	s3 =	rddreg [dreg:$0x1];
	s7 =	simm.s32 $0x2A00;
	s4 =	sor.u32 s0, s2  }
0x4: {  	s8 =	simm.s32 $0x2;
	s31 =	simm.s32 $0x100;
	s5 =	smul.u32 $0x140, s4  }
0x5: {  	s30 =	simm.s32 $0x180;
	s2 =	simm.s32 $0x0;
	s6 =	smul.u32 $0x5000, s4  }
0x6: {  	s29 =	simm.s32 $0x200;
	[smem:$0x7FF] =	sst s2;
	s5 =	sadd.s32 s5, s1  }
0x7: {  	s4 =	smul.u32 $0x28000, s4;
	s24 =	sadd.s32 s3, s6;
	s5 =	sadd.s32 $0x600, s5  }
0x8: {  	_ =	strace $0x80000047;
	s9 =	sadd.s32 $0x400, s24;
	[dreg:$0x3] =	wrdreg s5  }
0x9: {  	s4 =	sshrl.u32 s4, $0x3;
	s10 =	sadd.s32 $0x800, s24;
	[dreg:$0x4] =	wrdreg s9  }
0xa: {  	s11 =	sadd.s32 $0xC00, s24;
	s4 =	sadd.s32 s3, s4;
	[dreg:$0x5] =	wrdreg s10  }
0xb: {  	s28 =	simm.s32 $0x280;
	[dreg:$0x6] =	wrdreg s11;
	s3 =	sadd.s32 $0x1000, s4  }
0xc: {  	p0 =	por $0x0, $0x0;
	s12 =	sadd.s32 $0x1400, s4;
	[dreg:$0x7] =	wrdreg s3  }
0xd: {  	s0 =	ssub.s32 $0x2, s0;
	s13 =	sadd.s32 $0x1800, s4;
	[dreg:$0x8] =	wrdreg s12  }
0xe: {  	s25 =	sshrl.u32 s0, $0x1;
	s14 =	sadd.s32 $0x1C00, s4;
	[dreg:$0x9] =	wrdreg s13  }
0xf: {  	s0 =	ssub.s32 s0, s25;
	s15 =	sadd.s32 $0x2000, s4;
	[dreg:$0xa] =	wrdreg s14  }
0x10: {  	s25 =	simm.s32 $0x380;
	s16 =	sadd.s32 $0x2400, s4;
	[dreg:$0xb] =	wrdreg s15  }
0x11: {  	s0 =	smax.u32 s0, $0x1;
	s17 =	sadd.s32 $0x2800, s4;
	[dreg:$0xc] =	wrdreg s16  }
0x12: {  	p1 =	sne.s32 s0, $0x1;
	s18 =	sadd.s32 $0x2C00, s4;
	[dreg:$0xd] =	wrdreg s17  }
0x13: {  	s19 =	sadd.s32 $0x3000, s4;
	s20 =	sadd.s32 $0x3400, s4;
	[dreg:$0xe] =	wrdreg s18  }
0x14: {  	s21 =	sadd.s32 $0x3800, s4;
	s22 =	sadd.s32 $0x3C00, s4;
	[dreg:$0xf] =	wrdreg s19  }
0x15: {  	s23 =	sadd.s32 $0x4000, s4;
	s26 =	sadd.s32 $0x4400, s4;
	[dreg:$0x10] =	wrdreg s20  }
0x16: {  	s6 =	sadd.s32 $0x4800, s4;
	s5 =	sadd.s32 $0x4C00, s4;
	[dreg:$0x11] =	wrdreg s21  }
0x17: {  	s4 =	simm.s32 $0x3;
	s9 =	simm.s32 $0x80;
	[dreg:$0x12] =	wrdreg s22  }
0x18: {  	s10 =	simm.s32 $0xA00;
	s11 =	simm.s32 $0x1;
	[dreg:$0x13] =	wrdreg s23  }
0x19: {  	s3 =	sadd.s32 $0xF42A00, s1;
	[dreg:$0x14] =	wrdreg s26;
	s26 =	simm.s32 $0x300  }
.Ltmp0:
0x1a: {  	s23 =	simm.s32 $0x400;
	s22 =	simm.s32 $0x480;
	(pc) =	sbr.rel @!p1 .LBB2_3-.Ltmp0, $4  }
0x1b: {  	s21 =	simm.s32 $0x500;
	s20 =	simm.s32 $0x580;
	s19 =	simm.s32 $0x600  }
0x1c: {  	s18 =	simm.s32 $0x680;
	s1 =	sadd.s32 $0xFFFFFFFF, s0;
	s17 =	simm.s32 $0x700  }
0x1d: {  	s16 =	simm.s32 $0x780;
	s15 =	simm.s32 $0x800;
	s14 =	simm.s32 $0x880  }
0x1e: {  	s13 =	simm.s32 $0x900;
	s12 =	simm.s32 $0x980;
	s0 =	rddreg [dreg:$0x3]  }
0x1f: {  	[tilespmem:s2], [sflag:$0x3] =	stream.linear.gather [hbm4b:s0+s2], $0xA00, $0x38;
	[tilespmem:$0x4A00] =	vst v63  }
0x20: {  	_ =	swait.ge [sflag:s4], $0xA00  }
0x21: {  	[sflag:s4] =	ssyncset.done $0x0  }
0x22: {  	[sflag:s4] =	ssyncadd.s32 $0xFFFFF600  }
0x23: {  	[tilespmem:s10], [sflag:$0x1] =	stream.indirect.gather [hbm4b:s3+s9], $0x40, s2, s9, $0xb8;
	[tilespmem:$0x4A00] =	vst v63  }
0x24: {  	_ =	swait.ge [sflag:s11], $0x2000  }
0x25: {  	[sflag:s11] =	ssyncset.done $0x0  }
0x26: {  	[sflag:s11] =	ssyncadd.s32 $0xFFFFE000  }
0x27: {  	[tilespmem:s7], [sflag:$0x2] =	stream.indirect.gather [hbm4b:s3+s9], $0x40, s9, s9, $0xb8;
	[tilespmem:$0x4A00] =	vst v63  }
0x28: {  	_ = 	snop  }
0x29: {  	[hbm4b:s24+s2] =	stream.linear.scatter [tilespmem:s10], [sflag:$0x3], $0x2000, $0x38;
	[tilespmem:$0x4A00] =	vst v63  }
0x2a: {  	_ =	swait.ge [sflag:s4], $0x2000  }
0x2b: {  	[sflag:s4] =	ssyncset.done $0x0  }
0x2c: {  	[sflag:s4] =	ssyncadd.s32 $0xFFFFE000  }
0x2d: {  	_ =	swait.ge [sflag:s8], $0x2000  }
0x2e: {  	[sflag:s8] =	ssyncset.done $0x0  }
0x2f: {  	[sflag:s8] =	ssyncadd.s32 $0xFFFFE000  }
0x30: {  	[tilespmem:s10], [sflag:$0x1] =	stream.indirect.gather [hbm4b:s3+s9], $0x40, s31, s9, $0xb8;
	[tilespmem:$0x4A00] =	vst v63  }
0x31: {  	s0 =	rddreg [dreg:$0x4]  }
0x32: {  	[hbm4b:s0+s2] =	stream.linear.scatter [tilespmem:s7], [sflag:$0x3], $0x2000, $0x38;
	[tilespmem:$0x4A00] =	vst v63  }
0x33: {  	_ =	swait.ge [sflag:s4], $0x2000  }
0x34: {  	[sflag:s4] =	ssyncset.done $0x0  }
0x35: {  	[sflag:s4] =	ssyncadd.s32 $0xFFFFE000  }
0x36: {  	_ =	swait.ge [sflag:s11], $0x2000  }
0x37: {  	[sflag:s11] =	ssyncset.done $0x0  }
0x38: {  	[sflag:s11] =	ssyncadd.s32 $0xFFFFE000  }
0x39: {  	[tilespmem:s7], [sflag:$0x2] =	stream.indirect.gather [hbm4b:s3+s9], $0x40, s30, s9, $0xb8;
	[tilespmem:$0x4A00] =	vst v63  }
0x3a: {  	s0 =	rddreg [dreg:$0x5]  }
0x3b: {  	[hbm4b:s0+s2] =	stream.linear.scatter [tilespmem:s10], [sflag:$0x3], $0x2000, $0x38;
	[tilespmem:$0x4A00] =	vst v63  }
0x3c: {  	_ =	swait.ge [sflag:s4], $0x2000  }
0x3d: {  	[sflag:s4] =	ssyncset.done $0x0  }
0x3e: {  	[sflag:s4] =	ssyncadd.s32 $0xFFFFE000  }
0x3f: {  	_ =	swait.ge [sflag:s8], $0x2000  }
0x40: {  	[sflag:s8] =	ssyncset.done $0x0  }
0x41: {  	[sflag:s8] =	ssyncadd.s32 $0xFFFFE000  }
0x42: {  	[tilespmem:s10], [sflag:$0x1] =	stream.indirect.gather [hbm4b:s3+s9], $0x40, s29, s9, $0xb8;
	[tilespmem:$0x4A00] =	vst v63  }
0x43: {  	s0 =	rddreg [dreg:$0x6]  }
0x44: {  	[hbm4b:s0+s2] =	stream.linear.scatter [tilespmem:s7], [sflag:$0x3], $0x2000, $0x38;
	[tilespmem:$0x4A00] =	vst v63  }
0x45: {  	_ =	swait.ge [sflag:s4], $0x2000  }
0x46: {  	[sflag:s4] =	ssyncset.done $0x0  }
0x47: {  	[sflag:s4] =	ssyncadd.s32 $0xFFFFE000  }
0x48: {  	_ =	swait.ge [sflag:s11], $0x2000  }
0x49: {  	[sflag:s11] =	ssyncset.done $0x0  }
0x4a: {  	[sflag:s11] =	ssyncadd.s32 $0xFFFFE000  }
0x4b: {  	[tilespmem:s7], [sflag:$0x2] =	stream.indirect.gather [hbm4b:s3+s9], $0x40, s28, s9, $0xb8;
	[tilespmem:$0x4A00] =	vst v63  }
0x4c: {  	s0 =	rddreg [dreg:$0x7]  }
0x4d: {  	[hbm4b:s0+s2] =	stream.linear.scatter [tilespmem:s10], [sflag:$0x3], $0x2000, $0x38;
	[tilespmem:$0x4A00] =	vst v63  }
0x4e: {  	_ =	swait.ge [sflag:s4], $0x2000  }
0x4f: {  	[sflag:s4] =	ssyncset.done $0x0  }
0x50: {  	[sflag:s4] =	ssyncadd.s32 $0xFFFFE000  }
0x51: {  	_ =	swait.ge [sflag:s8], $0x2000  }
0x52: {  	[sflag:s8] =	ssyncset.done $0x0  }
0x53: {  	[sflag:s8] =	ssyncadd.s32 $0xFFFFE000  }
0x54: {  	[tilespmem:s10], [sflag:$0x1] =	stream.indirect.gather [hbm4b:s3+s9], $0x40, s26, s9, $0xb8;
	[tilespmem:$0x4A00] =	vst v63  }
0x55: {  	s0 =	rddreg [dreg:$0x8]  }
0x56: {  	[hbm4b:s0+s2] =	stream.linear.scatter [tilespmem:s7], [sflag:$0x3], $0x2000, $0x38;
	[tilespmem:$0x4A00] =	vst v63  }
0x57: {  	_ =	swait.ge [sflag:s4], $0x2000  }
0x58: {  	[sflag:s4] =	ssyncset.done $0x0  }
0x59: {  	[sflag:s4] =	ssyncadd.s32 $0xFFFFE000  }
0x5a: {  	_ =	swait.ge [sflag:s11], $0x2000  }
0x5b: {  	[sflag:s11] =	ssyncset.done $0x0  }
0x5c: {  	[sflag:s11] =	ssyncadd.s32 $0xFFFFE000  }
0x5d: {  	[tilespmem:s7], [sflag:$0x2] =	stream.indirect.gather [hbm4b:s3+s9], $0x40, s25, s9, $0xb8;
	[tilespmem:$0x4A00] =	vst v63  }
0x5e: {  	s0 =	rddreg [dreg:$0x9]  }
0x5f: {  	[hbm4b:s0+s2] =	stream.linear.scatter [tilespmem:s10], [sflag:$0x3], $0x2000, $0x38;
	[tilespmem:$0x4A00] =	vst v63  }
0x60: {  	_ =	swait.ge [sflag:s4], $0x2000  }
0x61: {  	[sflag:s4] =	ssyncset.done $0x0  }
0x62: {  	[sflag:s4] =	ssyncadd.s32 $0xFFFFE000  }
0x63: {  	_ =	swait.ge [sflag:s8], $0x2000  }
0x64: {  	[sflag:s8] =	ssyncset.done $0x0  }
0x65: {  	[sflag:s8] =	ssyncadd.s32 $0xFFFFE000  }
0x66: {  	[tilespmem:s10], [sflag:$0x1] =	stream.indirect.gather [hbm4b:s3+s9], $0x40, s23, s9, $0xb8;
	[tilespmem:$0x4A00] =	vst v63  }
0x67: {  	s0 =	rddreg [dreg:$0xa]  }
0x68: {  	[hbm4b:s0+s2] =	stream.linear.scatter [tilespmem:s7], [sflag:$0x3], $0x2000, $0x38;
	[tilespmem:$0x4A00] =	vst v63  }
0x69: {  	_ =	swait.ge [sflag:s4], $0x2000  }
0x6a: {  	[sflag:s4] =	ssyncset.done $0x0  }
0x6b: {  	[sflag:s4] =	ssyncadd.s32 $0xFFFFE000  }
0x6c: {  	_ =	swait.ge [sflag:s11], $0x2000  }
0x6d: {  	[sflag:s11] =	ssyncset.done $0x0  }
0x6e: {  	[sflag:s11] =	ssyncadd.s32 $0xFFFFE000  }
0x6f: {  	[tilespmem:s7], [sflag:$0x2] =	stream.indirect.gather [hbm4b:s3+s9], $0x40, s22, s9, $0xb8;
	[tilespmem:$0x4A00] =	vst v63  }
0x70: {  	s0 =	rddreg [dreg:$0xb]  }
0x71: {  	[hbm4b:s0+s2] =	stream.linear.scatter [tilespmem:s10], [sflag:$0x3], $0x2000, $0x38;
	[tilespmem:$0x4A00] =	vst v63  }
0x72: {  	_ =	swait.ge [sflag:s4], $0x2000  }
0x73: {  	[sflag:s4] =	ssyncset.done $0x0  }
0x74: {  	[sflag:s4] =	ssyncadd.s32 $0xFFFFE000  }
0x75: {  	_ =	swait.ge [sflag:s8], $0x2000  }
0x76: {  	[sflag:s8] =	ssyncset.done $0x0  }
0x77: {  	[sflag:s8] =	ssyncadd.s32 $0xFFFFE000  }
0x78: {  	[tilespmem:s10], [sflag:$0x1] =	stream.indirect.gather [hbm4b:s3+s9], $0x40, s21, s9, $0xb8;
	[tilespmem:$0x4A00] =	vst v63  }
0x79: {  	s0 =	rddreg [dreg:$0xc]  }
0x7a: {  	[hbm4b:s0+s2] =	stream.linear.scatter [tilespmem:s7], [sflag:$0x3], $0x2000, $0x38;
	[tilespmem:$0x4A00] =	vst v63  }
0x7b: {  	_ =	swait.ge [sflag:s4], $0x2000  }
0x7c: {  	[sflag:s4] =	ssyncset.done $0x0  }
0x7d: {  	[sflag:s4] =	ssyncadd.s32 $0xFFFFE000  }
0x7e: {  	_ =	swait.ge [sflag:s11], $0x2000  }
0x7f: {  	[sflag:s11] =	ssyncset.done $0x0  }
0x80: {  	[sflag:s11] =	ssyncadd.s32 $0xFFFFE000  }
0x81: {  	[tilespmem:s7], [sflag:$0x2] =	stream.indirect.gather [hbm4b:s3+s9], $0x40, s20, s9, $0xb8;
	[tilespmem:$0x4A00] =	vst v63  }
0x82: {  	s0 =	rddreg [dreg:$0xd]  }
0x83: {  	[hbm4b:s0+s2] =	stream.linear.scatter [tilespmem:s10], [sflag:$0x3], $0x2000, $0x38;
	[tilespmem:$0x4A00] =	vst v63  }
0x84: {  	_ =	swait.ge [sflag:s4], $0x2000  }
0x85: {  	[sflag:s4] =	ssyncset.done $0x0  }
0x86: {  	[sflag:s4] =	ssyncadd.s32 $0xFFFFE000  }
0x87: {  	_ =	swait.ge [sflag:s8], $0x2000  }
0x88: {  	[sflag:s8] =	ssyncset.done $0x0  }
0x89: {  	[sflag:s8] =	ssyncadd.s32 $0xFFFFE000  }
0x8a: {  	[tilespmem:s10], [sflag:$0x1] =	stream.indirect.gather [hbm4b:s3+s9], $0x40, s19, s9, $0xb8;
	[tilespmem:$0x4A00] =	vst v63  }
0x8b: {  	s0 =	rddreg [dreg:$0xe]  }
0x8c: {  	[hbm4b:s0+s2] =	stream.linear.scatter [tilespmem:s7], [sflag:$0x3], $0x2000, $0x38;
	[tilespmem:$0x4A00] =	vst v63  }
0x8d: {  	_ =	swait.ge [sflag:s4], $0x2000  }
0x8e: {  	[sflag:s4] =	ssyncset.done $0x0  }
0x8f: {  	[sflag:s4] =	ssyncadd.s32 $0xFFFFE000  }
0x90: {  	_ =	swait.ge [sflag:s11], $0x2000  }
0x91: {  	[sflag:s11] =	ssyncset.done $0x0  }
0x92: {  	[sflag:s11] =	ssyncadd.s32 $0xFFFFE000  }
0x93: {  	[tilespmem:s7], [sflag:$0x2] =	stream.indirect.gather [hbm4b:s3+s9], $0x40, s18, s9, $0xb8;
	[tilespmem:$0x4A00] =	vst v63  }
0x94: {  	s0 =	rddreg [dreg:$0xf]  }
0x95: {  	[hbm4b:s0+s2] =	stream.linear.scatter [tilespmem:s10], [sflag:$0x3], $0x2000, $0x38;
	[tilespmem:$0x4A00] =	vst v63  }
0x96: {  	_ =	swait.ge [sflag:s4], $0x2000  }
0x97: {  	[sflag:s4] =	ssyncset.done $0x0  }
0x98: {  	[sflag:s4] =	ssyncadd.s32 $0xFFFFE000  }
0x99: {  	_ =	swait.ge [sflag:s8], $0x2000  }
0x9a: {  	[sflag:s8] =	ssyncset.done $0x0  }
0x9b: {  	[sflag:s8] =	ssyncadd.s32 $0xFFFFE000  }
0x9c: {  	[tilespmem:s10], [sflag:$0x1] =	stream.indirect.gather [hbm4b:s3+s9], $0x40, s17, s9, $0xb8;
	[tilespmem:$0x4A00] =	vst v63  }
0x9d: {  	s0 =	rddreg [dreg:$0x10]  }
0x9e: {  	[hbm4b:s0+s2] =	stream.linear.scatter [tilespmem:s7], [sflag:$0x3], $0x2000, $0x38;
	[tilespmem:$0x4A00] =	vst v63  }
0x9f: {  	_ =	swait.ge [sflag:s4], $0x2000  }
0xa0: {  	[sflag:s4] =	ssyncset.done $0x0  }
0xa1: {  	[sflag:s4] =	ssyncadd.s32 $0xFFFFE000  }
0xa2: {  	_ =	swait.ge [sflag:s11], $0x2000  }
0xa3: {  	[sflag:s11] =	ssyncset.done $0x0  }
0xa4: {  	[sflag:s11] =	ssyncadd.s32 $0xFFFFE000  }
0xa5: {  	[tilespmem:s7], [sflag:$0x2] =	stream.indirect.gather [hbm4b:s3+s9], $0x40, s16, s9, $0xb8;
	[tilespmem:$0x4A00] =	vst v63  }
0xa6: {  	s0 =	rddreg [dreg:$0x11]  }
0xa7: {  	[hbm4b:s0+s2] =	stream.linear.scatter [tilespmem:s10], [sflag:$0x3], $0x2000, $0x38;
	[tilespmem:$0x4A00] =	vst v63  }
0xa8: {  	_ =	swait.ge [sflag:s4], $0x2000  }
0xa9: {  	[sflag:s4] =	ssyncset.done $0x0  }
0xaa: {  	[sflag:s4] =	ssyncadd.s32 $0xFFFFE000  }
0xab: {  	_ =	swait.ge [sflag:s8], $0x2000  }
0xac: {  	[sflag:s8] =	ssyncset.done $0x0  }
0xad: {  	[sflag:s8] =	ssyncadd.s32 $0xFFFFE000  }
0xae: {  	[tilespmem:s10], [sflag:$0x1] =	stream.indirect.gather [hbm4b:s3+s9], $0x40, s15, s9, $0xb8;
	[tilespmem:$0x4A00] =	vst v63  }
0xaf: {  	s0 =	rddreg [dreg:$0x12]  }
0xb0: {  	[hbm4b:s0+s2] =	stream.linear.scatter [tilespmem:s7], [sflag:$0x3], $0x2000, $0x38;
	[tilespmem:$0x4A00] =	vst v63  }
0xb1: {  	_ =	swait.ge [sflag:s4], $0x2000  }
0xb2: {  	[sflag:s4] =	ssyncset.done $0x0  }
0xb3: {  	[sflag:s4] =	ssyncadd.s32 $0xFFFFE000  }
0xb4: {  	_ =	swait.ge [sflag:s11], $0x2000  }
0xb5: {  	[sflag:s11] =	ssyncset.done $0x0  }
0xb6: {  	[sflag:s11] =	ssyncadd.s32 $0xFFFFE000  }
0xb7: {  	[tilespmem:s7], [sflag:$0x2] =	stream.indirect.gather [hbm4b:s3+s9], $0x40, s14, s9, $0xb8;
	[tilespmem:$0x4A00] =	vst v63  }
0xb8: {  	s0 =	rddreg [dreg:$0x13]  }
0xb9: {  	[hbm4b:s0+s2] =	stream.linear.scatter [tilespmem:s10], [sflag:$0x3], $0x2000, $0x38;
	[tilespmem:$0x4A00] =	vst v63  }
0xba: {  	_ =	swait.ge [sflag:s4], $0x2000  }
0xbb: {  	[sflag:s4] =	ssyncset.done $0x0  }
0xbc: {  	[sflag:s4] =	ssyncadd.s32 $0xFFFFE000  }
0xbd: {  	_ =	swait.ge [sflag:s8], $0x2000  }
0xbe: {  	[sflag:s8] =	ssyncset.done $0x0  }
0xbf: {  	[sflag:s8] =	ssyncadd.s32 $0xFFFFE000  }
0xc0: {  	[tilespmem:s10], [sflag:$0x1] =	stream.indirect.gather [hbm4b:s3+s9], $0x40, s13, s9, $0xb8;
	[tilespmem:$0x4A00] =	vst v63  }
0xc1: {  	s0 =	rddreg [dreg:$0x14]  }
0xc2: {  	[hbm4b:s0+s2] =	stream.linear.scatter [tilespmem:s7], [sflag:$0x3], $0x2000, $0x38;
	[tilespmem:$0x4A00] =	vst v63  }
0xc3: {  	_ =	swait.ge [sflag:s4], $0x2000  }
0xc4: {  	[sflag:s4] =	ssyncset.done $0x0  }
0xc5: {  	[sflag:s4] =	ssyncadd.s32 $0xFFFFE000  }
0xc6: {  	_ =	swait.ge [sflag:s11], $0x2000  }
0xc7: {  	[sflag:s11] =	ssyncset.done $0x0  }
0xc8: {  	[sflag:s11] =	ssyncadd.s32 $0xFFFFE000  }
0xc9: {  	[tilespmem:s7], [sflag:$0x2] =	stream.indirect.gather [hbm4b:s3+s9], $0x40, s12, s9, $0xb8;
	[tilespmem:$0x4A00] =	vst v63  }
0xca: {  	_ = 	snop  }
0xcb: {  	[hbm4b:s6+s2] =	stream.linear.scatter [tilespmem:s10], [sflag:$0x3], $0x2000, $0x38;
	[tilespmem:$0x4A00] =	vst v63  }
0xcc: {  	_ =	swait.ge [sflag:s4], $0x2000  }
0xcd: {  	[sflag:s4] =	ssyncset.done $0x0  }
0xce: {  	[sflag:s4] =	ssyncadd.s32 $0xFFFFE000  }
0xcf: {  	p1 =	sne.s32 s1, $0x1;
	_ =	swait.ge [sflag:s8], $0x2000  }
.Ltmp1:
0xd0: {  	[sflag:s8] =	ssyncset.done $0x0;
	(pc) =	sbr.rel @!p1 .LBB2_3-.Ltmp1, $4  }
0xd1: {  	[sflag:s8] =	ssyncadd.s32 $0xFFFFE000  }
0xd2: {  	[hbm4b:s5+s2] =	stream.linear.scatter [tilespmem:s7], [sflag:$0x3], $0x2000, $0x38;
	[tilespmem:$0x4A00] =	vst v63  }
0xd3: {  	s1 =	sadd.s32 $0xFFFFFFFF, s1;
	_ =	swait.ge [sflag:s4], $0x2000  }
0xd4: {  	p0 =	por $0x1, $0x1;
	s0 =	rddreg [dreg:$0x3];
	[sflag:s4] =	ssyncset.done $0x0  }
.LBB2_2:
0xd5: {  	[sflag:s4] =	ssyncadd.s32 $0xFFFFE000  }
0xd6: {  	[tilespmem:s2], [sflag:$0x3] =	stream.linear.gather [hbm4b:s0+s2], $0xA00, $0x38;
	[tilespmem:$0x4A00] =	vst v63  }
0xd7: {  	_ =	swait.ge [sflag:s4], $0xA00  }
0xd8: {  	[sflag:s4] =	ssyncset.done $0x0  }
0xd9: {  	[sflag:s4] =	ssyncadd.s32 $0xFFFFF600  }
0xda: {  	[tilespmem:s10], [sflag:$0x1] =	stream.indirect.gather [hbm4b:s3+s9], $0x40, s2, s9, $0xb8;
	[tilespmem:$0x4A00] =	vst v63  }
0xdb: {  	_ =	swait.ge [sflag:s11], $0x2000  }
0xdc: {  	[sflag:s11] =	ssyncset.done $0x0  }
0xdd: {  	[sflag:s11] =	ssyncadd.s32 $0xFFFFE000  }
0xde: {  	[tilespmem:s7], [sflag:$0x2] =	stream.indirect.gather [hbm4b:s3+s9], $0x40, s9, s9, $0xb8;
	[tilespmem:$0x4A00] =	vst v63  }
0xdf: {  	_ = 	snop  }
0xe0: {  	[hbm4b:s24+s2] =	stream.linear.scatter [tilespmem:s10], [sflag:$0x3], $0x2000, $0x38;
	[tilespmem:$0x4A00] =	vst v63  }
0xe1: {  	_ =	swait.ge [sflag:s4], $0x2000  }
0xe2: {  	[sflag:s4] =	ssyncset.done $0x0  }
0xe3: {  	[sflag:s4] =	ssyncadd.s32 $0xFFFFE000  }
0xe4: {  	_ =	swait.ge [sflag:s8], $0x2000  }
0xe5: {  	[sflag:s8] =	ssyncset.done $0x0  }
0xe6: {  	[sflag:s8] =	ssyncadd.s32 $0xFFFFE000  }
0xe7: {  	[tilespmem:s10], [sflag:$0x1] =	stream.indirect.gather [hbm4b:s3+s9], $0x40, s31, s9, $0xb8;
	[tilespmem:$0x4A00] =	vst v63  }
0xe8: {  	s0 =	rddreg [dreg:$0x4]  }
0xe9: {  	[hbm4b:s0+s2] =	stream.linear.scatter [tilespmem:s7], [sflag:$0x3], $0x2000, $0x38;
	[tilespmem:$0x4A00] =	vst v63  }
0xea: {  	_ =	swait.ge [sflag:s4], $0x2000  }
0xeb: {  	[sflag:s4] =	ssyncset.done $0x0  }
0xec: {  	[sflag:s4] =	ssyncadd.s32 $0xFFFFE000  }
0xed: {  	_ =	swait.ge [sflag:s11], $0x2000  }
0xee: {  	[sflag:s11] =	ssyncset.done $0x0  }
0xef: {  	[sflag:s11] =	ssyncadd.s32 $0xFFFFE000  }
0xf0: {  	[tilespmem:s7], [sflag:$0x2] =	stream.indirect.gather [hbm4b:s3+s9], $0x40, s30, s9, $0xb8;
	[tilespmem:$0x4A00] =	vst v63  }
0xf1: {  	s0 =	rddreg [dreg:$0x5]  }
0xf2: {  	[hbm4b:s0+s2] =	stream.linear.scatter [tilespmem:s10], [sflag:$0x3], $0x2000, $0x38;
	[tilespmem:$0x4A00] =	vst v63  }
0xf3: {  	_ =	swait.ge [sflag:s4], $0x2000  }
0xf4: {  	[sflag:s4] =	ssyncset.done $0x0  }
0xf5: {  	[sflag:s4] =	ssyncadd.s32 $0xFFFFE000  }
0xf6: {  	_ =	swait.ge [sflag:s8], $0x2000  }
0xf7: {  	[sflag:s8] =	ssyncset.done $0x0  }
0xf8: {  	[sflag:s8] =	ssyncadd.s32 $0xFFFFE000  }
0xf9: {  	[tilespmem:s10], [sflag:$0x1] =	stream.indirect.gather [hbm4b:s3+s9], $0x40, s29, s9, $0xb8;
	[tilespmem:$0x4A00] =	vst v63  }
0xfa: {  	s0 =	rddreg [dreg:$0x6]  }
0xfb: {  	[hbm4b:s0+s2] =	stream.linear.scatter [tilespmem:s7], [sflag:$0x3], $0x2000, $0x38;
	[tilespmem:$0x4A00] =	vst v63  }
0xfc: {  	_ =	swait.ge [sflag:s4], $0x2000  }
0xfd: {  	[sflag:s4] =	ssyncset.done $0x0  }
0xfe: {  	[sflag:s4] =	ssyncadd.s32 $0xFFFFE000  }
0xff: {  	_ =	swait.ge [sflag:s11], $0x2000  }
0x100: {  	[sflag:s11] =	ssyncset.done $0x0  }
0x101: {  	[sflag:s11] =	ssyncadd.s32 $0xFFFFE000  }
0x102: {  	[tilespmem:s7], [sflag:$0x2] =	stream.indirect.gather [hbm4b:s3+s9], $0x40, s28, s9, $0xb8;
	[tilespmem:$0x4A00] =	vst v63  }
0x103: {  	s0 =	rddreg [dreg:$0x7]  }
0x104: {  	[hbm4b:s0+s2] =	stream.linear.scatter [tilespmem:s10], [sflag:$0x3], $0x2000, $0x38;
	[tilespmem:$0x4A00] =	vst v63  }
0x105: {  	_ =	swait.ge [sflag:s4], $0x2000  }
0x106: {  	[sflag:s4] =	ssyncset.done $0x0  }
0x107: {  	[sflag:s4] =	ssyncadd.s32 $0xFFFFE000  }
0x108: {  	_ =	swait.ge [sflag:s8], $0x2000  }
0x109: {  	[sflag:s8] =	ssyncset.done $0x0  }
0x10a: {  	[sflag:s8] =	ssyncadd.s32 $0xFFFFE000  }
0x10b: {  	[tilespmem:s10], [sflag:$0x1] =	stream.indirect.gather [hbm4b:s3+s9], $0x40, s26, s9, $0xb8;
	[tilespmem:$0x4A00] =	vst v63  }
0x10c: {  	s0 =	rddreg [dreg:$0x8]  }
0x10d: {  	[hbm4b:s0+s2] =	stream.linear.scatter [tilespmem:s7], [sflag:$0x3], $0x2000, $0x38;
	[tilespmem:$0x4A00] =	vst v63  }
0x10e: {  	_ =	swait.ge [sflag:s4], $0x2000  }
0x10f: {  	[sflag:s4] =	ssyncset.done $0x0  }
0x110: {  	[sflag:s4] =	ssyncadd.s32 $0xFFFFE000  }
0x111: {  	_ =	swait.ge [sflag:s11], $0x2000  }
0x112: {  	[sflag:s11] =	ssyncset.done $0x0  }
0x113: {  	[sflag:s11] =	ssyncadd.s32 $0xFFFFE000  }
0x114: {  	[tilespmem:s7], [sflag:$0x2] =	stream.indirect.gather [hbm4b:s3+s9], $0x40, s25, s9, $0xb8;
	[tilespmem:$0x4A00] =	vst v63  }
0x115: {  	s0 =	rddreg [dreg:$0x9]  }
0x116: {  	[hbm4b:s0+s2] =	stream.linear.scatter [tilespmem:s10], [sflag:$0x3], $0x2000, $0x38;
	[tilespmem:$0x4A00] =	vst v63  }
0x117: {  	_ =	swait.ge [sflag:s4], $0x2000  }
0x118: {  	[sflag:s4] =	ssyncset.done $0x0  }
0x119: {  	[sflag:s4] =	ssyncadd.s32 $0xFFFFE000  }
0x11a: {  	_ =	swait.ge [sflag:s8], $0x2000  }
0x11b: {  	[sflag:s8] =	ssyncset.done $0x0  }
0x11c: {  	[sflag:s8] =	ssyncadd.s32 $0xFFFFE000  }
0x11d: {  	[tilespmem:s10], [sflag:$0x1] =	stream.indirect.gather [hbm4b:s3+s9], $0x40, s23, s9, $0xb8;
	[tilespmem:$0x4A00] =	vst v63  }
0x11e: {  	s0 =	rddreg [dreg:$0xa]  }
0x11f: {  	[hbm4b:s0+s2] =	stream.linear.scatter [tilespmem:s7], [sflag:$0x3], $0x2000, $0x38;
	[tilespmem:$0x4A00] =	vst v63  }
0x120: {  	_ =	swait.ge [sflag:s4], $0x2000  }
0x121: {  	[sflag:s4] =	ssyncset.done $0x0  }
0x122: {  	[sflag:s4] =	ssyncadd.s32 $0xFFFFE000  }
0x123: {  	_ =	swait.ge [sflag:s11], $0x2000  }
0x124: {  	[sflag:s11] =	ssyncset.done $0x0  }
0x125: {  	[sflag:s11] =	ssyncadd.s32 $0xFFFFE000  }
0x126: {  	[tilespmem:s7], [sflag:$0x2] =	stream.indirect.gather [hbm4b:s3+s9], $0x40, s22, s9, $0xb8;
	[tilespmem:$0x4A00] =	vst v63  }
0x127: {  	s0 =	rddreg [dreg:$0xb]  }
0x128: {  	[hbm4b:s0+s2] =	stream.linear.scatter [tilespmem:s10], [sflag:$0x3], $0x2000, $0x38;
	[tilespmem:$0x4A00] =	vst v63  }
0x129: {  	_ =	swait.ge [sflag:s4], $0x2000  }
0x12a: {  	[sflag:s4] =	ssyncset.done $0x0  }
0x12b: {  	[sflag:s4] =	ssyncadd.s32 $0xFFFFE000  }
0x12c: {  	_ =	swait.ge [sflag:s8], $0x2000  }
0x12d: {  	[sflag:s8] =	ssyncset.done $0x0  }
0x12e: {  	[sflag:s8] =	ssyncadd.s32 $0xFFFFE000  }
0x12f: {  	[tilespmem:s10], [sflag:$0x1] =	stream.indirect.gather [hbm4b:s3+s9], $0x40, s21, s9, $0xb8;
	[tilespmem:$0x4A00] =	vst v63  }
0x130: {  	s0 =	rddreg [dreg:$0xc]  }
0x131: {  	[hbm4b:s0+s2] =	stream.linear.scatter [tilespmem:s7], [sflag:$0x3], $0x2000, $0x38;
	[tilespmem:$0x4A00] =	vst v63  }
0x132: {  	_ =	swait.ge [sflag:s4], $0x2000  }
0x133: {  	[sflag:s4] =	ssyncset.done $0x0  }
0x134: {  	[sflag:s4] =	ssyncadd.s32 $0xFFFFE000  }
0x135: {  	_ =	swait.ge [sflag:s11], $0x2000  }
0x136: {  	[sflag:s11] =	ssyncset.done $0x0  }
0x137: {  	[sflag:s11] =	ssyncadd.s32 $0xFFFFE000  }
0x138: {  	[tilespmem:s7], [sflag:$0x2] =	stream.indirect.gather [hbm4b:s3+s9], $0x40, s20, s9, $0xb8;
	[tilespmem:$0x4A00] =	vst v63  }
0x139: {  	s0 =	rddreg [dreg:$0xd]  }
0x13a: {  	[hbm4b:s0+s2] =	stream.linear.scatter [tilespmem:s10], [sflag:$0x3], $0x2000, $0x38;
	[tilespmem:$0x4A00] =	vst v63  }
0x13b: {  	_ =	swait.ge [sflag:s4], $0x2000  }
0x13c: {  	[sflag:s4] =	ssyncset.done $0x0  }
0x13d: {  	[sflag:s4] =	ssyncadd.s32 $0xFFFFE000  }
0x13e: {  	_ =	swait.ge [sflag:s8], $0x2000  }
0x13f: {  	[sflag:s8] =	ssyncset.done $0x0  }
0x140: {  	[sflag:s8] =	ssyncadd.s32 $0xFFFFE000  }
0x141: {  	[tilespmem:s10], [sflag:$0x1] =	stream.indirect.gather [hbm4b:s3+s9], $0x40, s19, s9, $0xb8;
	[tilespmem:$0x4A00] =	vst v63  }
0x142: {  	s0 =	rddreg [dreg:$0xe]  }
0x143: {  	[hbm4b:s0+s2] =	stream.linear.scatter [tilespmem:s7], [sflag:$0x3], $0x2000, $0x38;
	[tilespmem:$0x4A00] =	vst v63  }
0x144: {  	_ =	swait.ge [sflag:s4], $0x2000  }
0x145: {  	[sflag:s4] =	ssyncset.done $0x0  }
0x146: {  	[sflag:s4] =	ssyncadd.s32 $0xFFFFE000  }
0x147: {  	_ =	swait.ge [sflag:s11], $0x2000  }
0x148: {  	[sflag:s11] =	ssyncset.done $0x0  }
0x149: {  	[sflag:s11] =	ssyncadd.s32 $0xFFFFE000  }
0x14a: {  	[tilespmem:s7], [sflag:$0x2] =	stream.indirect.gather [hbm4b:s3+s9], $0x40, s18, s9, $0xb8;
	[tilespmem:$0x4A00] =	vst v63  }
0x14b: {  	s0 =	rddreg [dreg:$0xf]  }
0x14c: {  	[hbm4b:s0+s2] =	stream.linear.scatter [tilespmem:s10], [sflag:$0x3], $0x2000, $0x38;
	[tilespmem:$0x4A00] =	vst v63  }
0x14d: {  	_ =	swait.ge [sflag:s4], $0x2000  }
0x14e: {  	[sflag:s4] =	ssyncset.done $0x0  }
0x14f: {  	[sflag:s4] =	ssyncadd.s32 $0xFFFFE000  }
0x150: {  	_ =	swait.ge [sflag:s8], $0x2000  }
0x151: {  	[sflag:s8] =	ssyncset.done $0x0  }
0x152: {  	[sflag:s8] =	ssyncadd.s32 $0xFFFFE000  }
0x153: {  	[tilespmem:s10], [sflag:$0x1] =	stream.indirect.gather [hbm4b:s3+s9], $0x40, s17, s9, $0xb8;
	[tilespmem:$0x4A00] =	vst v63  }
0x154: {  	s0 =	rddreg [dreg:$0x10]  }
0x155: {  	[hbm4b:s0+s2] =	stream.linear.scatter [tilespmem:s7], [sflag:$0x3], $0x2000, $0x38;
	[tilespmem:$0x4A00] =	vst v63  }
0x156: {  	_ =	swait.ge [sflag:s4], $0x2000  }
0x157: {  	[sflag:s4] =	ssyncset.done $0x0  }
0x158: {  	[sflag:s4] =	ssyncadd.s32 $0xFFFFE000  }
0x159: {  	_ =	swait.ge [sflag:s11], $0x2000  }
0x15a: {  	[sflag:s11] =	ssyncset.done $0x0  }
0x15b: {  	[sflag:s11] =	ssyncadd.s32 $0xFFFFE000  }
0x15c: {  	[tilespmem:s7], [sflag:$0x2] =	stream.indirect.gather [hbm4b:s3+s9], $0x40, s16, s9, $0xb8;
	[tilespmem:$0x4A00] =	vst v63  }
0x15d: {  	s0 =	rddreg [dreg:$0x11]  }
0x15e: {  	[hbm4b:s0+s2] =	stream.linear.scatter [tilespmem:s10], [sflag:$0x3], $0x2000, $0x38;
	[tilespmem:$0x4A00] =	vst v63  }
0x15f: {  	_ =	swait.ge [sflag:s4], $0x2000  }
0x160: {  	[sflag:s4] =	ssyncset.done $0x0  }
0x161: {  	[sflag:s4] =	ssyncadd.s32 $0xFFFFE000  }
0x162: {  	_ =	swait.ge [sflag:s8], $0x2000  }
0x163: {  	[sflag:s8] =	ssyncset.done $0x0  }
0x164: {  	[sflag:s8] =	ssyncadd.s32 $0xFFFFE000  }
0x165: {  	[tilespmem:s10], [sflag:$0x1] =	stream.indirect.gather [hbm4b:s3+s9], $0x40, s15, s9, $0xb8;
	[tilespmem:$0x4A00] =	vst v63  }
0x166: {  	s0 =	rddreg [dreg:$0x12]  }
0x167: {  	[hbm4b:s0+s2] =	stream.linear.scatter [tilespmem:s7], [sflag:$0x3], $0x2000, $0x38;
	[tilespmem:$0x4A00] =	vst v63  }
0x168: {  	_ =	swait.ge [sflag:s4], $0x2000  }
0x169: {  	[sflag:s4] =	ssyncset.done $0x0  }
0x16a: {  	[sflag:s4] =	ssyncadd.s32 $0xFFFFE000  }
0x16b: {  	_ =	swait.ge [sflag:s11], $0x2000  }
0x16c: {  	[sflag:s11] =	ssyncset.done $0x0  }
0x16d: {  	[sflag:s11] =	ssyncadd.s32 $0xFFFFE000  }
0x16e: {  	[tilespmem:s7], [sflag:$0x2] =	stream.indirect.gather [hbm4b:s3+s9], $0x40, s14, s9, $0xb8;
	[tilespmem:$0x4A00] =	vst v63  }
0x16f: {  	s0 =	rddreg [dreg:$0x13]  }
0x170: {  	[hbm4b:s0+s2] =	stream.linear.scatter [tilespmem:s10], [sflag:$0x3], $0x2000, $0x38;
	[tilespmem:$0x4A00] =	vst v63  }
0x171: {  	_ =	swait.ge [sflag:s4], $0x2000  }
0x172: {  	[sflag:s4] =	ssyncset.done $0x0  }
0x173: {  	[sflag:s4] =	ssyncadd.s32 $0xFFFFE000  }
0x174: {  	_ =	swait.ge [sflag:s8], $0x2000  }
0x175: {  	[sflag:s8] =	ssyncset.done $0x0  }
0x176: {  	[sflag:s8] =	ssyncadd.s32 $0xFFFFE000  }
0x177: {  	[tilespmem:s10], [sflag:$0x1] =	stream.indirect.gather [hbm4b:s3+s9], $0x40, s13, s9, $0xb8;
	[tilespmem:$0x4A00] =	vst v63  }
0x178: {  	s0 =	rddreg [dreg:$0x14]  }
0x179: {  	[hbm4b:s0+s2] =	stream.linear.scatter [tilespmem:s7], [sflag:$0x3], $0x2000, $0x38;
	[tilespmem:$0x4A00] =	vst v63  }
0x17a: {  	_ =	swait.ge [sflag:s4], $0x2000  }
0x17b: {  	[sflag:s4] =	ssyncset.done $0x0  }
0x17c: {  	[sflag:s4] =	ssyncadd.s32 $0xFFFFE000  }
0x17d: {  	_ =	swait.ge [sflag:s11], $0x2000  }
0x17e: {  	[sflag:s11] =	ssyncset.done $0x0  }
0x17f: {  	[sflag:s11] =	ssyncadd.s32 $0xFFFFE000  }
0x180: {  	[tilespmem:s7], [sflag:$0x2] =	stream.indirect.gather [hbm4b:s3+s9], $0x40, s12, s9, $0xb8;
	[tilespmem:$0x4A00] =	vst v63  }
0x181: {  	_ = 	snop  }
0x182: {  	[hbm4b:s6+s2] =	stream.linear.scatter [tilespmem:s10], [sflag:$0x3], $0x2000, $0x38;
	[tilespmem:$0x4A00] =	vst v63  }
0x183: {  	_ =	swait.ge [sflag:s4], $0x2000  }
0x184: {  	[sflag:s4] =	ssyncset.done $0x0  }
0x185: {  	[sflag:s4] =	ssyncadd.s32 $0xFFFFE000  }
0x186: {  	p1 =	sne.s32 s1, $0x1;
	_ =	swait.ge [sflag:s8], $0x2000  }
.Ltmp2:
0x187: {  	[sflag:s8] =	ssyncset.done $0x0;
	(pc) =	sbr.rel @p1 .LBB2_2-.Ltmp2, $4  }
0x188: {  	[sflag:s8] =	ssyncadd.s32 $0xFFFFE000  }
0x189: {  	[hbm4b:s5+s2] =	stream.linear.scatter [tilespmem:s7], [sflag:$0x3], $0x2000, $0x38;
	[tilespmem:$0x4A00] =	vst v63  }
0x18a: {  	_ =	swait.ge [sflag:s4], $0x2000  }
0x18b: {  	s1 =	sadd.s32 $0xFFFFFFFF, s1;
	s0 =	rddreg [dreg:$0x3];
	[sflag:s4] =	ssyncset.done $0x0  }
.LBB2_3:
0x18c: {  	[sflag:s4] =	ssyncadd.s32 @p0 $0xFFFFE000  }
0x18d: {  	[tilespmem:s2], [sflag:$0x3] =	stream.linear.gather [hbm4b:s0+s2], $0xA00, $0x38;
	[tilespmem:$0x4A00] =	vst v63  }
0x18e: {  	_ =	swait.ge [sflag:s4], $0xA00  }
0x18f: {  	[sflag:s4] =	ssyncset.done $0x0  }
0x190: {  	[sflag:s4] =	ssyncadd.s32 $0xFFFFF600  }
0x191: {  	[tilespmem:s10], [sflag:$0x1] =	stream.indirect.gather [hbm4b:s3+s9], $0x40, s2, s9, $0xb8;
	[tilespmem:$0x4A00] =	vst v63  }
0x192: {  	_ =	swait.ge [sflag:s11], $0x2000  }
0x193: {  	[sflag:s11] =	ssyncset.done $0x0  }
0x194: {  	[sflag:s11] =	ssyncadd.s32 $0xFFFFE000  }
0x195: {  	[tilespmem:s7], [sflag:$0x2] =	stream.indirect.gather [hbm4b:s3+s9], $0x40, s9, s9, $0xb8;
	[tilespmem:$0x4A00] =	vst v63  }
0x196: {  	_ = 	snop  }
0x197: {  	[hbm4b:s24+s2] =	stream.linear.scatter [tilespmem:s10], [sflag:$0x3], $0x2000, $0x38;
	[tilespmem:$0x4A00] =	vst v63  }
0x198: {  	_ =	swait.ge [sflag:s4], $0x2000  }
0x199: {  	[sflag:s4] =	ssyncset.done $0x0  }
0x19a: {  	[sflag:s4] =	ssyncadd.s32 $0xFFFFE000  }
0x19b: {  	_ =	swait.ge [sflag:s8], $0x2000  }
0x19c: {  	[sflag:s8] =	ssyncset.done $0x0  }
0x19d: {  	[sflag:s8] =	ssyncadd.s32 $0xFFFFE000  }
0x19e: {  	[tilespmem:s10], [sflag:$0x1] =	stream.indirect.gather [hbm4b:s3+s9], $0x40, s31, s9, $0xb8;
	[tilespmem:$0x4A00] =	vst v63  }
0x19f: {  	s24 =	rddreg [dreg:$0x4]  }
0x1a0: {  	[hbm4b:s24+s2] =	stream.linear.scatter [tilespmem:s7], [sflag:$0x3], $0x2000, $0x38;
	[tilespmem:$0x4A00] =	vst v63  }
0x1a1: {  	_ =	swait.ge [sflag:s4], $0x2000  }
0x1a2: {  	[sflag:s4] =	ssyncset.done $0x0  }
0x1a3: {  	[sflag:s4] =	ssyncadd.s32 $0xFFFFE000  }
0x1a4: {  	_ =	swait.ge [sflag:s11], $0x2000  }
0x1a5: {  	[sflag:s11] =	ssyncset.done $0x0  }
0x1a6: {  	[sflag:s11] =	ssyncadd.s32 $0xFFFFE000  }
0x1a7: {  	[tilespmem:s7], [sflag:$0x2] =	stream.indirect.gather [hbm4b:s3+s9], $0x40, s30, s9, $0xb8;
	[tilespmem:$0x4A00] =	vst v63  }
0x1a8: {  	s31 =	rddreg [dreg:$0x5]  }
0x1a9: {  	[hbm4b:s31+s2] =	stream.linear.scatter [tilespmem:s10], [sflag:$0x3], $0x2000, $0x38;
	[tilespmem:$0x4A00] =	vst v63  }
0x1aa: {  	_ =	swait.ge [sflag:s4], $0x2000  }
0x1ab: {  	[sflag:s4] =	ssyncset.done $0x0  }
0x1ac: {  	[sflag:s4] =	ssyncadd.s32 $0xFFFFE000  }
0x1ad: {  	_ =	swait.ge [sflag:s8], $0x2000  }
0x1ae: {  	[sflag:s8] =	ssyncset.done $0x0  }
0x1af: {  	[sflag:s8] =	ssyncadd.s32 $0xFFFFE000  }
0x1b0: {  	[tilespmem:s10], [sflag:$0x1] =	stream.indirect.gather [hbm4b:s3+s9], $0x40, s29, s9, $0xb8;
	[tilespmem:$0x4A00] =	vst v63  }
0x1b1: {  	s1 =	rddreg [dreg:$0x6]  }
0x1b2: {  	[hbm4b:s1+s2] =	stream.linear.scatter [tilespmem:s7], [sflag:$0x3], $0x2000, $0x38;
	[tilespmem:$0x4A00] =	vst v63  }
0x1b3: {  	_ =	swait.ge [sflag:s4], $0x2000  }
0x1b4: {  	[sflag:s4] =	ssyncset.done $0x0  }
0x1b5: {  	[sflag:s4] =	ssyncadd.s32 $0xFFFFE000  }
0x1b6: {  	_ =	swait.ge [sflag:s11], $0x2000  }
0x1b7: {  	[sflag:s11] =	ssyncset.done $0x0  }
0x1b8: {  	[sflag:s11] =	ssyncadd.s32 $0xFFFFE000  }
0x1b9: {  	[tilespmem:s7], [sflag:$0x2] =	stream.indirect.gather [hbm4b:s3+s9], $0x40, s28, s9, $0xb8;
	[tilespmem:$0x4A00] =	vst v63  }
0x1ba: {  	s24 =	rddreg [dreg:$0x7]  }
0x1bb: {  	[hbm4b:s24+s2] =	stream.linear.scatter [tilespmem:s10], [sflag:$0x3], $0x2000, $0x38;
	[tilespmem:$0x4A00] =	vst v63  }
0x1bc: {  	_ =	swait.ge [sflag:s4], $0x2000  }
0x1bd: {  	[sflag:s4] =	ssyncset.done $0x0  }
0x1be: {  	[sflag:s4] =	ssyncadd.s32 $0xFFFFE000  }
0x1bf: {  	_ =	swait.ge [sflag:s8], $0x2000  }
0x1c0: {  	[sflag:s8] =	ssyncset.done $0x0  }
0x1c1: {  	[sflag:s8] =	ssyncadd.s32 $0xFFFFE000  }
0x1c2: {  	[tilespmem:s10], [sflag:$0x1] =	stream.indirect.gather [hbm4b:s3+s9], $0x40, s26, s9, $0xb8;
	[tilespmem:$0x4A00] =	vst v63  }
0x1c3: {  	s28 =	rddreg [dreg:$0x8]  }
0x1c4: {  	[hbm4b:s28+s2] =	stream.linear.scatter [tilespmem:s7], [sflag:$0x3], $0x2000, $0x38;
	[tilespmem:$0x4A00] =	vst v63  }
0x1c5: {  	_ =	swait.ge [sflag:s4], $0x2000  }
0x1c6: {  	[sflag:s4] =	ssyncset.done $0x0  }
0x1c7: {  	[sflag:s4] =	ssyncadd.s32 $0xFFFFE000  }
0x1c8: {  	_ =	swait.ge [sflag:s11], $0x2000  }
0x1c9: {  	[sflag:s11] =	ssyncset.done $0x0  }
0x1ca: {  	[sflag:s11] =	ssyncadd.s32 $0xFFFFE000  }
0x1cb: {  	[tilespmem:s7], [sflag:$0x2] =	stream.indirect.gather [hbm4b:s3+s9], $0x40, s25, s9, $0xb8;
	[tilespmem:$0x4A00] =	vst v63  }
0x1cc: {  	s29 =	rddreg [dreg:$0x9]  }
0x1cd: {  	[hbm4b:s29+s2] =	stream.linear.scatter [tilespmem:s10], [sflag:$0x3], $0x2000, $0x38;
	[tilespmem:$0x4A00] =	vst v63  }
0x1ce: {  	_ =	swait.ge [sflag:s4], $0x2000  }
0x1cf: {  	[sflag:s4] =	ssyncset.done $0x0  }
0x1d0: {  	[sflag:s4] =	ssyncadd.s32 $0xFFFFE000  }
0x1d1: {  	_ =	swait.ge [sflag:s8], $0x2000  }
0x1d2: {  	[sflag:s8] =	ssyncset.done $0x0  }
0x1d3: {  	[sflag:s8] =	ssyncadd.s32 $0xFFFFE000  }
0x1d4: {  	[tilespmem:s10], [sflag:$0x1] =	stream.indirect.gather [hbm4b:s3+s9], $0x40, s23, s9, $0xb8;
	[tilespmem:$0x4A00] =	vst v63  }
0x1d5: {  	s30 =	rddreg [dreg:$0xa]  }
0x1d6: {  	[hbm4b:s30+s2] =	stream.linear.scatter [tilespmem:s7], [sflag:$0x3], $0x2000, $0x38;
	[tilespmem:$0x4A00] =	vst v63  }
0x1d7: {  	_ =	swait.ge [sflag:s4], $0x2000  }
0x1d8: {  	[sflag:s4] =	ssyncset.done $0x0  }
0x1d9: {  	[sflag:s4] =	ssyncadd.s32 $0xFFFFE000  }
0x1da: {  	_ =	swait.ge [sflag:s11], $0x2000  }
0x1db: {  	[sflag:s11] =	ssyncset.done $0x0  }
0x1dc: {  	[sflag:s11] =	ssyncadd.s32 $0xFFFFE000  }
0x1dd: {  	[tilespmem:s7], [sflag:$0x2] =	stream.indirect.gather [hbm4b:s3+s9], $0x40, s22, s9, $0xb8;
	[tilespmem:$0x4A00] =	vst v63  }
0x1de: {  	s31 =	rddreg [dreg:$0xb]  }
0x1df: {  	[hbm4b:s31+s2] =	stream.linear.scatter [tilespmem:s10], [sflag:$0x3], $0x2000, $0x38;
	[tilespmem:$0x4A00] =	vst v63  }
0x1e0: {  	_ =	swait.ge [sflag:s4], $0x2000  }
0x1e1: {  	[sflag:s4] =	ssyncset.done $0x0  }
0x1e2: {  	[sflag:s4] =	ssyncadd.s32 $0xFFFFE000  }
0x1e3: {  	_ =	swait.ge [sflag:s8], $0x2000  }
0x1e4: {  	[sflag:s8] =	ssyncset.done $0x0  }
0x1e5: {  	[sflag:s8] =	ssyncadd.s32 $0xFFFFE000  }
0x1e6: {  	[tilespmem:s10], [sflag:$0x1] =	stream.indirect.gather [hbm4b:s3+s9], $0x40, s21, s9, $0xb8;
	[tilespmem:$0x4A00] =	vst v63  }
0x1e7: {  	s1 =	rddreg [dreg:$0xc]  }
0x1e8: {  	[hbm4b:s1+s2] =	stream.linear.scatter [tilespmem:s7], [sflag:$0x3], $0x2000, $0x38;
	[tilespmem:$0x4A00] =	vst v63  }
0x1e9: {  	_ =	swait.ge [sflag:s4], $0x2000  }
0x1ea: {  	[sflag:s4] =	ssyncset.done $0x0  }
0x1eb: {  	[sflag:s4] =	ssyncadd.s32 $0xFFFFE000  }
0x1ec: {  	_ =	swait.ge [sflag:s11], $0x2000  }
0x1ed: {  	[sflag:s11] =	ssyncset.done $0x0  }
0x1ee: {  	[sflag:s11] =	ssyncadd.s32 $0xFFFFE000  }
0x1ef: {  	[tilespmem:s7], [sflag:$0x2] =	stream.indirect.gather [hbm4b:s3+s9], $0x40, s20, s9, $0xb8;
	[tilespmem:$0x4A00] =	vst v63  }
0x1f0: {  	s22 =	rddreg [dreg:$0xd]  }
0x1f1: {  	[hbm4b:s22+s2] =	stream.linear.scatter [tilespmem:s10], [sflag:$0x3], $0x2000, $0x38;
	[tilespmem:$0x4A00] =	vst v63  }
0x1f2: {  	_ =	swait.ge [sflag:s4], $0x2000  }
0x1f3: {  	[sflag:s4] =	ssyncset.done $0x0  }
0x1f4: {  	[sflag:s4] =	ssyncadd.s32 $0xFFFFE000  }
0x1f5: {  	_ =	swait.ge [sflag:s8], $0x2000  }
0x1f6: {  	[sflag:s8] =	ssyncset.done $0x0  }
0x1f7: {  	[sflag:s8] =	ssyncadd.s32 $0xFFFFE000  }
0x1f8: {  	[tilespmem:s10], [sflag:$0x1] =	stream.indirect.gather [hbm4b:s3+s9], $0x40, s19, s9, $0xb8;
	[tilespmem:$0x4A00] =	vst v63  }
0x1f9: {  	s23 =	rddreg [dreg:$0xe]  }
0x1fa: {  	[hbm4b:s23+s2] =	stream.linear.scatter [tilespmem:s7], [sflag:$0x3], $0x2000, $0x38;
	[tilespmem:$0x4A00] =	vst v63  }
0x1fb: {  	_ =	swait.ge [sflag:s4], $0x2000  }
0x1fc: {  	[sflag:s4] =	ssyncset.done $0x0  }
0x1fd: {  	[sflag:s4] =	ssyncadd.s32 $0xFFFFE000  }
0x1fe: {  	_ =	swait.ge [sflag:s11], $0x2000  }
0x1ff: {  	[sflag:s11] =	ssyncset.done $0x0  }
0x200: {  	[sflag:s11] =	ssyncadd.s32 $0xFFFFE000  }
0x201: {  	[tilespmem:s7], [sflag:$0x2] =	stream.indirect.gather [hbm4b:s3+s9], $0x40, s18, s9, $0xb8;
	[tilespmem:$0x4A00] =	vst v63  }
0x202: {  	s24 =	rddreg [dreg:$0xf]  }
0x203: {  	[hbm4b:s24+s2] =	stream.linear.scatter [tilespmem:s10], [sflag:$0x3], $0x2000, $0x38;
	[tilespmem:$0x4A00] =	vst v63  }
0x204: {  	_ =	swait.ge [sflag:s4], $0x2000  }
0x205: {  	[sflag:s4] =	ssyncset.done $0x0  }
0x206: {  	[sflag:s4] =	ssyncadd.s32 $0xFFFFE000  }
0x207: {  	_ =	swait.ge [sflag:s8], $0x2000  }
0x208: {  	[sflag:s8] =	ssyncset.done $0x0  }
0x209: {  	[sflag:s8] =	ssyncadd.s32 $0xFFFFE000  }
0x20a: {  	[tilespmem:s10], [sflag:$0x1] =	stream.indirect.gather [hbm4b:s3+s9], $0x40, s17, s9, $0xb8;
	[tilespmem:$0x4A00] =	vst v63  }
0x20b: {  	s25 =	rddreg [dreg:$0x10]  }
0x20c: {  	[hbm4b:s25+s2] =	stream.linear.scatter [tilespmem:s7], [sflag:$0x3], $0x2000, $0x38;
	[tilespmem:$0x4A00] =	vst v63  }
0x20d: {  	_ =	swait.ge [sflag:s4], $0x2000  }
0x20e: {  	[sflag:s4] =	ssyncset.done $0x0  }
0x20f: {  	[sflag:s4] =	ssyncadd.s32 $0xFFFFE000  }
0x210: {  	_ =	swait.ge [sflag:s11], $0x2000  }
0x211: {  	[sflag:s11] =	ssyncset.done $0x0  }
0x212: {  	[sflag:s11] =	ssyncadd.s32 $0xFFFFE000  }
0x213: {  	[tilespmem:s7], [sflag:$0x2] =	stream.indirect.gather [hbm4b:s3+s9], $0x40, s16, s9, $0xb8;
	[tilespmem:$0x4A00] =	vst v63  }
0x214: {  	s26 =	rddreg [dreg:$0x11]  }
0x215: {  	[hbm4b:s26+s2] =	stream.linear.scatter [tilespmem:s10], [sflag:$0x3], $0x2000, $0x38;
	[tilespmem:$0x4A00] =	vst v63  }
0x216: {  	_ =	swait.ge [sflag:s4], $0x2000  }
0x217: {  	[sflag:s4] =	ssyncset.done $0x0  }
0x218: {  	[sflag:s4] =	ssyncadd.s32 $0xFFFFE000  }
0x219: {  	_ =	swait.ge [sflag:s8], $0x2000  }
0x21a: {  	[sflag:s8] =	ssyncset.done $0x0  }
0x21b: {  	[sflag:s8] =	ssyncadd.s32 $0xFFFFE000  }
0x21c: {  	[tilespmem:s10], [sflag:$0x1] =	stream.indirect.gather [hbm4b:s3+s9], $0x40, s15, s9, $0xb8;
	[tilespmem:$0x4A00] =	vst v63  }
0x21d: {  	s28 =	rddreg [dreg:$0x12]  }
0x21e: {  	[hbm4b:s28+s2] =	stream.linear.scatter [tilespmem:s7], [sflag:$0x3], $0x2000, $0x38;
	[tilespmem:$0x4A00] =	vst v63  }
0x21f: {  	_ =	swait.ge [sflag:s4], $0x2000  }
0x220: {  	[sflag:s4] =	ssyncset.done $0x0  }
0x221: {  	[sflag:s4] =	ssyncadd.s32 $0xFFFFE000  }
0x222: {  	_ =	swait.ge [sflag:s11], $0x2000  }
0x223: {  	[sflag:s11] =	ssyncset.done $0x0  }
0x224: {  	[sflag:s11] =	ssyncadd.s32 $0xFFFFE000  }
0x225: {  	[tilespmem:s7], [sflag:$0x2] =	stream.indirect.gather [hbm4b:s3+s9], $0x40, s14, s9, $0xb8;
	[tilespmem:$0x4A00] =	vst v63  }
0x226: {  	s29 =	rddreg [dreg:$0x13]  }
0x227: {  	[hbm4b:s29+s2] =	stream.linear.scatter [tilespmem:s10], [sflag:$0x3], $0x2000, $0x38;
	[tilespmem:$0x4A00] =	vst v63  }
0x228: {  	_ =	swait.ge [sflag:s4], $0x2000  }
0x229: {  	[sflag:s4] =	ssyncset.done $0x0  }
0x22a: {  	[sflag:s4] =	ssyncadd.s32 $0xFFFFE000  }
0x22b: {  	_ =	swait.ge [sflag:s8], $0x2000  }
0x22c: {  	[sflag:s8] =	ssyncset.done $0x0  }
0x22d: {  	[sflag:s8] =	ssyncadd.s32 $0xFFFFE000  }
0x22e: {  	[tilespmem:s10], [sflag:$0x1] =	stream.indirect.gather [hbm4b:s3+s9], $0x40, s13, s9, $0xb8;
	[tilespmem:$0x4A00] =	vst v63  }
0x22f: {  	s30 =	rddreg [dreg:$0x14]  }
0x230: {  	[hbm4b:s30+s2] =	stream.linear.scatter [tilespmem:s7], [sflag:$0x3], $0x2000, $0x38;
	[tilespmem:$0x4A00] =	vst v63  }
0x231: {  	_ =	swait.ge [sflag:s4], $0x2000  }
0x232: {  	[sflag:s4] =	ssyncset.done $0x0  }
0x233: {  	[sflag:s4] =	ssyncadd.s32 $0xFFFFE000  }
0x234: {  	_ =	swait.ge [sflag:s11], $0x2000  }
0x235: {  	[sflag:s11] =	ssyncset.done $0x0  }
0x236: {  	[sflag:s11] =	ssyncadd.s32 $0xFFFFE000  }
0x237: {  	[tilespmem:s7], [sflag:$0x2] =	stream.indirect.gather [hbm4b:s3+s9], $0x40, s12, s9, $0xb8;
	[tilespmem:$0x4A00] =	vst v63  }
0x238: {  	_ = 	snop  }
0x239: {  	[hbm4b:s6+s2] =	stream.linear.scatter [tilespmem:s10], [sflag:$0x3], $0x2000, $0x38;
	[tilespmem:$0x4A00] =	vst v63  }
0x23a: {  	_ =	swait.ge [sflag:s4], $0x2000  }
0x23b: {  	[sflag:s4] =	ssyncset.done $0x0  }
0x23c: {  	[sflag:s4] =	ssyncadd.s32 $0xFFFFE000  }
0x23d: {  	_ =	swait.ge [sflag:s8], $0x2000  }
0x23e: {  	[sflag:s8] =	ssyncset.done $0x0  }
0x23f: {  	[sflag:s8] =	ssyncadd.s32 $0xFFFFE000  }
0x240: {  	[hbm4b:s5+s2] =	stream.linear.scatter [tilespmem:s7], [sflag:$0x3], $0x2000, $0x38;
	[tilespmem:$0x4A00] =	vst v63  }
0x241: {  	_ =	swait.ge [sflag:s4], $0x2000  }
0x242: {  	[sflag:s4] =	ssyncset.done $0x0  }
0x243: {  	[sflag:s4] =	ssyncadd.s32 $0xFFFFE000  }
0x244: {  	_ =	sfence.sel $0x180000  }
0x245: {  	[bflag:$0x0] =	sbarrier.arrive $0xFFFF  }
0x246: {  	_ =	strace $0x90000047  }
0x247: {  	s31 =	stileid.u32;
	[bflag:$0x2] =	sbarrier.arrive $0xFFFF  }
0x248: {  	p0 =	sne.s32 s31, $0x0;
	s0 =	rddreg [dreg:$0x2]  }
0x249: {  	s0 =	sadd.s32 @!p0 $0x100000, s0  }
0x24a: {  	[sflag:s0] =	ssyncadd.tile.s32 @!p0 $0x1;
	_ =	shalt  }
.Lfunc_end2:
_tile_overlayer_lowered:
.L_overlay_start_2:
0x24b: {  	(tag) =	ssettag $0x2  }
0x24c: {  	s0 =	rddreg [dreg:$0x0];
	s2 =	stileid.u32  }
0x24d: {  	s1 =	rddreg [dreg:$0x1];
	p0 =	sne.s32 s2, $0x0  }
0x24e: {  	s3 =	rddreg [dreg:$0x2];
	[bflag:$0x3] =	sbarrier.arrive $0xFFFF;
	s2 =	simm.s32 @!p0 $0x1C03  }
0x24f: {  	[timem:s3], [sflag:s2] =	dma.local @!p0 [hbm:s0], s1  }
0x250: {  	s0 =	simm.s32 @!p0 $0x3  }
0x251: {  	_ =	swait.ge @!p0 [sflag:s0], s1  }
0x252: {  	s1 =	ssub.s32 @!p0 $0x0, s1;
	[sflag:s0] =	ssyncset.done @!p0 $0x0  }
0x253: {  	[sflag:s0] =	ssyncadd.s32 @!p0 s1  }
0x254: {  	[bflag:$0x3] =	sbarrier.arrive $0xFFFF  }
0x255: {  	_ =	shalt  }

</sc_bundles>
